<compile_context>
chip_gen: v7x
topology: tpu7x:2x2x1
jax: 0.10.2.dev20260603
libtpu: 0.0.44.dev20260713+nightly
codegen_flags: <defaults>
</compile_context>

<pallas_src>
import jax
import jax.numpy as jnp
from jax import lax
from jax.experimental import pallas as pl
from jax.experimental.pallas import tpu as pltpu
from jax.experimental.pallas import tpu_sc as plsc

_NUM_FIELDS = 26
_VOCAB = 100000
_EMBED_DIM = 32
_BATCH = 16384
_NC, _NS, _L = 2, 16, 16
_NW = _NC * _NS
_CHUNK = 2048
_NCH = _BATCH // _CHUNK
_GRP = _CHUNK // _L


def _body(tok_hbm, tab_hbm, out_hbm, tokv, rowv, outv, ssem0, ssem1, rsem):
    d = lax.axis_index("s") * _NC + lax.axis_index("c")
    ssems = (ssem0, ssem1)

    def task(i, carry):
        r = i * _EMBED_DIM + d
        rcp = pltpu.async_copy(tab_hbm.at[i, d], rowv, rsem)
        pltpu.sync_copy(tok_hbm.at[i], tokv)
        rcp.wait()
        for c in range(_NCH):
            slot = c & 1

            def wait_slot(slot=slot):
                pltpu.make_async_copy(
                    outv.at[slot], out_hbm.at[r, pl.ds(0, _CHUNK)],
                    ssems[slot]).wait()

            if c >= 2:
                wait_slot()
            else:
                pl.when(i > 0)(wait_slot)

            def grp(g8, _, c=c, slot=slot):
                for k in range(8):
                    off = g8 * (8 * _L) + k * _L
                    idx = tokv[c * 16 + g8, pl.ds(k * _L, _L)]
                    outv[slot, pl.ds(off, _L)] = plsc.load_gather(rowv, [idx])
                return _

            lax.fori_loop(0, _GRP // 8, grp, 0)
            pltpu.async_copy(
                outv.at[slot], out_hbm.at[r, pl.ds(c * _CHUNK, _CHUNK)],
                ssems[slot])
        return carry

    lax.fori_loop(0, _NUM_FIELDS, task, 0)
    for slot in range(2):
        pltpu.make_async_copy(
            outv.at[slot], out_hbm.at[0, pl.ds(0, _CHUNK)],
            ssems[slot]).wait()


def kernel(tokens, tables):
    tok = tokens.T.astype(jnp.int32).reshape(_NUM_FIELDS, 128, 128)
    tab = tables.transpose(0, 2, 1)
    mesh = plsc.VectorSubcoreMesh(core_axis_name="c", subcore_axis_name="s")
    run = pl.kernel(
        _body,
        mesh=mesh,
        out_type=jax.ShapeDtypeStruct(
            (_NUM_FIELDS * _EMBED_DIM, _BATCH), jnp.float32),
        scratch_types=[
            pltpu.VMEM((128, 128), jnp.int32),
            pltpu.VMEM((_VOCAB,), jnp.float32),
            pltpu.VMEM((2, _CHUNK), jnp.float32),
            pltpu.SemaphoreType.DMA,
            pltpu.SemaphoreType.DMA,
            pltpu.SemaphoreType.DMA,
        ],
        compiler_params=pltpu.CompilerParams(
            use_tc_tiling_on_sc=True, needs_layout_passes=False),
    )
    out_t = run(tok, tab)
    return out_t.T

# --- scband reference (transcript-rebuilt; emitter-appended) ---
"""Pipeline reference for scband-multi-embedding-20873541059156 (READ-ONLY COPY).

The authoritative reference and input builder live on the scoring server;
editing this copy changes nothing except your own understanding.
"""

import jax, jax.numpy as jnp
import numpy as np

NUM_FIELDS = 26
VOCAB = 100000
EMBED_DIM = 32
BATCH = 16384


def setup_inputs(seed: int = 0) -> dict:
    key = jax.random.key(seed)
    k_tok, k_tab = jax.random.split(key)
    tokens = jax.random.randint(k_tok, (BATCH, NUM_FIELDS), 0, VOCAB, dtype=jnp.int64 if jax.config.jax_enable_x64 else jnp.int32)
    # One embedding table per sparse field; all have the same (vocab, dim) here,
    # so we materialize them as a single stacked array [NUM_FIELDS, VOCAB, EMBED_DIM].
    tables = jax.random.normal(k_tab, (NUM_FIELDS, VOCAB, EMBED_DIM), dtype=jnp.float32)
    return {"tokens": tokens, "tables": tables}


def reference(tokens, tables):
    # Faithful translation of MultiEmbedding.forward with concat=True:
    #   output[name] = emb(tokens[:, i]) for each field, then concat on last dim.
    outs = []
    for i in range(NUM_FIELDS):
        outs.append(jnp.take(tables[i], tokens[:, i], axis=0))
    return jnp.concatenate(outs, axis=-1)

if __name__ == "__main__":
    import jax
    _d = setup_inputs()
    print(jax.jit(kernel)(*tuple(_d.values())))

</pallas_src>

<mosaic_0001>
#map = affine_map<(d0, d1) -> (0, 0, 0)>
#map1 = affine_map<(d0, d1) -> (0, 0)>
module attributes {stable_mosaic.version = 14 : i64} {
  func.func @_body(%arg0: i32, %arg1: i32, %arg2: memref<26x128x128xi32, #tpu.memory_space<hbm>>, %arg3: memref<26x32x100000xf32, #tpu.memory_space<hbm>>, %arg4: memref<832x16384xf32, #tpu.memory_space<hbm>>, %arg5: memref<128x128xi32, #tpu.memory_space<vmem>>, %arg6: memref<100000xf32, #tpu.memory_space<vmem>>, %arg7: memref<2x2048xf32, #tpu.memory_space<vmem>>, %arg8: memref<!tpu.dma_semaphore, #tpu.memory_space<semaphore_mem>>, %arg9: memref<!tpu.dma_semaphore, #tpu.memory_space<semaphore_mem>>, %arg10: memref<!tpu.dma_semaphore, #tpu.memory_space<semaphore_mem>>) attributes {dimension_semantics = [#tpu.dimension_semantics<core_parallel>, #tpu.dimension_semantics<subcore_parallel>], iteration_bounds = array<i64: 2, 16>, scalar_prefetch = 0 : i64, scratch_operands = 6 : i64, tpu.core_type = #tpu.core_type<sc_vector_subcore>, window_params = [{transform_indices = #map}, {transform_indices = #map}, {transform_indices = #map1}]} {
    %mul3A = arith.constant 2 : i32
    %mul3A_0 = arith.muli %arg1, %mul3A : i32
    %add3A = arith.addi %mul3A_0, %arg0 : i32
    %scan3A = arith.constant 0 : i32
    %scan3A_1 = arith.constant 0 : i32
    %scan3A_2 = arith.constant 26 : i32
    %scan3A_3 = arith.addi %scan3A_1, %scan3A_2 : i32
    %scan3A_4 = arith.constant 1 : i32
    scf.for %scan3A_33 = %scan3A_1 to %scan3A_3 step %scan3A_4  : i32 {
      %mul3A_34 = arith.constant 32 : i32
      %mul3A_35 = arith.muli %scan3A_33, %mul3A_34 : i32
      %add3A_36 = arith.addi %mul3A_35, %add3A : i32
      %dma_start3A = arith.constant 0 : i32
      %dma_start3A_37 = tpu.memref_slice %arg3[%scan3A_33, %add3A, %dma_start3A] : memref<26x32x100000xf32, #tpu.memory_space<hbm>> -> memref<1x1x100000xf32, #tpu.memory_space<hbm>>
      %dma_start3A_38 = tpu.memref_squeeze %dma_start3A_37 : memref<1x1x100000xf32, #tpu.memory_space<hbm>> -> memref<100000xf32, #tpu.memory_space<hbm>>
      %dma_start3A_39 = arith.constant 0 : i32
      %dma_start3A_40 = tpu.memref_slice %arg3[%scan3A_33, %add3A, %dma_start3A_39] : memref<26x32x100000xf32, #tpu.memory_space<hbm>> -> memref<1x1x100000xf32, #tpu.memory_space<hbm>>
      %dma_start3A_41 = tpu.memref_squeeze %dma_start3A_40 : memref<1x1x100000xf32, #tpu.memory_space<hbm>> -> memref<100000xf32, #tpu.memory_space<hbm>>
      tpu.enqueue_dma source(%dma_start3A_41 : memref<100000xf32, #tpu.memory_space<hbm>>) target(%arg6 : memref<100000xf32, #tpu.memory_space<vmem>>) target_semaphore(%arg10 : memref<!tpu.dma_semaphore, #tpu.memory_space<semaphore_mem>>)
      "tpu.region"() ({
        %run_scoped3A = tpu.sem_alloc : memref<!tpu.dma_semaphore, #tpu.memory_space<semaphore_mem>>
        %dma_start3A_285 = arith.constant 0 : i32
        %dma_start3A_286 = arith.constant 0 : i32
        %dma_start3A_287 = tpu.memref_slice %arg2[%scan3A_33, %dma_start3A_285, %dma_start3A_286] : memref<26x128x128xi32, #tpu.memory_space<hbm>> -> memref<1x128x128xi32, #tpu.memory_space<hbm>>
        %dma_start3A_288 = tpu.memref_squeeze %dma_start3A_287 : memref<1x128x128xi32, #tpu.memory_space<hbm>> -> memref<128x128xi32, #tpu.memory_space<hbm>>
        %dma_start3A_289 = arith.constant 0 : i32
        %dma_start3A_290 = arith.constant 0 : i32
        %dma_start3A_291 = tpu.memref_slice %arg2[%scan3A_33, %dma_start3A_289, %dma_start3A_290] : memref<26x128x128xi32, #tpu.memory_space<hbm>> -> memref<1x128x128xi32, #tpu.memory_space<hbm>>
        %dma_start3A_292 = tpu.memref_squeeze %dma_start3A_291 : memref<1x128x128xi32, #tpu.memory_space<hbm>> -> memref<128x128xi32, #tpu.memory_space<hbm>>
        tpu.enqueue_dma source(%dma_start3A_292 : memref<128x128xi32, #tpu.memory_space<hbm>>) target(%arg5 : memref<128x128xi32, #tpu.memory_space<vmem>>) target_semaphore(%run_scoped3A : memref<!tpu.dma_semaphore, #tpu.memory_space<semaphore_mem>>)
        %dma_wait3A_293 = arith.constant 0 : i32
        %dma_wait3A_294 = arith.constant 0 : i32
        %dma_wait3A_295 = tpu.memref_slice %arg2[%scan3A_33, %dma_wait3A_293, %dma_wait3A_294] : memref<26x128x128xi32, #tpu.memory_space<hbm>> -> memref<1x128x128xi32, #tpu.memory_space<hbm>>
        %dma_wait3A_296 = tpu.memref_squeeze %dma_wait3A_295 : memref<1x128x128xi32, #tpu.memory_space<hbm>> -> memref<128x128xi32, #tpu.memory_space<hbm>>
        %dma_wait3A_297 = arith.constant 0 : i32
        %dma_wait3A_298 = arith.constant 0 : i32
        %dma_wait3A_299 = tpu.memref_slice %arg2[%scan3A_33, %dma_wait3A_297, %dma_wait3A_298] : memref<26x128x128xi32, #tpu.memory_space<hbm>> -> memref<1x128x128xi32, #tpu.memory_space<hbm>>
        %dma_wait3A_300 = tpu.memref_squeeze %dma_wait3A_299 : memref<1x128x128xi32, #tpu.memory_space<hbm>> -> memref<128x128xi32, #tpu.memory_space<hbm>>
        tpu.wait_dma2 semaphore(%run_scoped3A : memref<!tpu.dma_semaphore, #tpu.memory_space<semaphore_mem>>) src(%dma_wait3A_300 : memref<128x128xi32, #tpu.memory_space<hbm>>) dst(%arg5 : memref<128x128xi32, #tpu.memory_space<vmem>>)
        tpu.yield
      }) : () -> ()
      %dma_wait3A_42 = arith.constant 0 : i32
      %dma_wait3A_43 = tpu.memref_slice %arg3[%scan3A_33, %add3A, %dma_wait3A_42] : memref<26x32x100000xf32, #tpu.memory_space<hbm>> -> memref<1x1x100000xf32, #tpu.memory_space<hbm>>
      %dma_wait3A_44 = tpu.memref_squeeze %dma_wait3A_43 : memref<1x1x100000xf32, #tpu.memory_space<hbm>> -> memref<100000xf32, #tpu.memory_space<hbm>>
      %dma_wait3A_45 = arith.constant 0 : i32
      %dma_wait3A_46 = tpu.memref_slice %arg3[%scan3A_33, %add3A, %dma_wait3A_45] : memref<26x32x100000xf32, #tpu.memory_space<hbm>> -> memref<1x1x100000xf32, #tpu.memory_space<hbm>>
      %dma_wait3A_47 = tpu.memref_squeeze %dma_wait3A_46 : memref<1x1x100000xf32, #tpu.memory_space<hbm>> -> memref<100000xf32, #tpu.memory_space<hbm>>
      tpu.wait_dma2 semaphore(%arg10 : memref<!tpu.dma_semaphore, #tpu.memory_space<semaphore_mem>>) src(%dma_wait3A_47 : memref<100000xf32, #tpu.memory_space<hbm>>) dst(%arg6 : memref<100000xf32, #tpu.memory_space<vmem>>)
      %gt3A = arith.constant 0 : i32
      %gt3A_48 = arith.cmpi sgt, %scan3A_33, %gt3A : i32
      %convert_element_type3A = arith.extui %gt3A_48 : i1 to i32
      %cond3A = arith.constant 0 : i32
      %cond3A_49 = arith.cmpi ne, %convert_element_type3A, %cond3A : i32
      scf.if %cond3A_49 {
        %dma_wait3A_285 = arith.constant 0 : i32
        %dma_wait3A_286 = arith.constant 0 : i32
        %dma_wait3A_287 = tpu.memref_slice %arg7[%dma_wait3A_285, %dma_wait3A_286] : memref<2x2048xf32, #tpu.memory_space<vmem>> -> memref<1x2048xf32, #tpu.memory_space<vmem>>
        %dma_wait3A_288 = tpu.memref_squeeze %dma_wait3A_287 : memref<1x2048xf32, #tpu.memory_space<vmem>> -> memref<2048xf32, #tpu.memory_space<vmem>>
        %dma_wait3A_289 = arith.constant 0 : i32
        %dma_wait3A_290 = tpu.memref_slice %arg4[%add3A_36, %dma_wait3A_289] : memref<832x16384xf32, #tpu.memory_space<hbm>> -> memref<1x2048xf32, #tpu.memory_space<hbm>>
        %dma_wait3A_291 = tpu.memref_squeeze %dma_wait3A_290 : memref<1x2048xf32, #tpu.memory_space<hbm>> -> memref<2048xf32, #tpu.memory_space<hbm>>
        %dma_wait3A_292 = arith.constant 0 : i32
        %dma_wait3A_293 = tpu.memref_slice %arg4[%add3A_36, %dma_wait3A_292] : memref<832x16384xf32, #tpu.memory_space<hbm>> -> memref<1x2048xf32, #tpu.memory_space<hbm>>
        %dma_wait3A_294 = tpu.memref_squeeze %dma_wait3A_293 : memref<1x2048xf32, #tpu.memory_space<hbm>> -> memref<2048xf32, #tpu.memory_space<hbm>>
        %dma_wait3A_295 = arith.constant 0 : i32
        %dma_wait3A_296 = tpu.memref_slice %arg7[%dma_wait3A_285, %dma_wait3A_295] : memref<2x2048xf32, #tpu.memory_space<vmem>> -> memref<1x2048xf32, #tpu.memory_space<vmem>>
        %dma_wait3A_297 = tpu.memref_squeeze %dma_wait3A_296 : memref<1x2048xf32, #tpu.memory_space<vmem>> -> memref<2048xf32, #tpu.memory_space<vmem>>
        tpu.wait_dma2 semaphore(%arg8 : memref<!tpu.dma_semaphore, #tpu.memory_space<semaphore_mem>>) src(%dma_wait3A_297 : memref<2048xf32, #tpu.memory_space<vmem>>) dst(%dma_wait3A_294 : memref<2048xf32, #tpu.memory_space<hbm>>)
      } else {
      }
      %scan3A_50 = arith.constant 0 : i32
      %scan3A_51 = arith.constant 0 : i32
      %scan3A_52 = arith.constant 16 : i32
      %scan3A_53 = arith.addi %scan3A_51, %scan3A_52 : i32
      %scan3A_54 = arith.constant 1 : i32
      scf.for %scan3A_285 = %scan3A_51 to %scan3A_53 step %scan3A_54  : i32 {
        %mul3A_286 = arith.constant 128 : i32
        %mul3A_287 = arith.muli %scan3A_285, %mul3A_286 : i32
        %add3A_288 = arith.constant 0 : i32
        %add3A_289 = arith.addi %mul3A_287, %add3A_288 : i32
        %add3A_290 = arith.constant 0 : i32
        %add3A_291 = arith.addi %add3A_290, %scan3A_285 : i32
        %get3A = arith.index_cast %add3A_291 : i32 to index
        %get3A_292 = arith.constant 0 : index
        %get3A_293 = tpu.vector_load %arg5[%get3A, %get3A_292] {strides = array<i32>} : memref<128x128xi32, #tpu.memory_space<vmem>>, vector<16xi32>,
        %gather3A = tpu.vector_load_idx %arg6[%get3A_293] : memref<100000xf32, #tpu.memory_space<vmem>>[vector<16xi32>], vector<16xf32>,
        %swap3A = arith.constant 0 : i32
        %swap3A_294 = arith.index_cast %swap3A : i32 to index
        %swap3A_295 = arith.index_cast %add3A_289 : i32 to index
        %swap3A_296 = tpu.vector_load %arg7[%swap3A_294, %swap3A_295] {strides = array<i32>} : memref<2x2048xf32, #tpu.memory_space<vmem>>, vector<16xf32>,
        tpu.vector_store %arg7[%swap3A_294, %swap3A_295], %gather3A {strides = array<i32>} : memref<2x2048xf32, #tpu.memory_space<vmem>>, vector<16xf32>,
        %mul3A_297 = arith.constant 128 : i32
        %mul3A_298 = arith.muli %scan3A_285, %mul3A_297 : i32
        %add3A_299 = arith.constant 16 : i32
        %add3A_300 = arith.addi %mul3A_298, %add3A_299 : i32
        %add3A_301 = arith.constant 0 : i32
        %add3A_302 = arith.addi %add3A_301, %scan3A_285 : i32
        %get3A_303 = arith.index_cast %add3A_302 : i32 to index
        %get3A_304 = arith.constant 16 : index
        %get3A_305 = tpu.vector_load %arg5[%get3A_303, %get3A_304] {strides = array<i32>} : memref<128x128xi32, #tpu.memory_space<vmem>>, vector<16xi32>,
        %gather3A_306 = tpu.vector_load_idx %arg6[%get3A_305] : memref<100000xf32, #tpu.memory_space<vmem>>[vector<16xi32>], vector<16xf32>,
        %swap3A_307 = arith.constant 0 : i32
        %swap3A_308 = arith.index_cast %swap3A_307 : i32 to index
        %swap3A_309 = arith.index_cast %add3A_300 : i32 to index
        %swap3A_310 = tpu.vector_load %arg7[%swap3A_308, %swap3A_309] {strides = array<i32>} : memref<2x2048xf32, #tpu.memory_space<vmem>>, vector<16xf32>,
        tpu.vector_store %arg7[%swap3A_308, %swap3A_309], %gather3A_306 {strides = array<i32>} : memref<2x2048xf32, #tpu.memory_space<vmem>>, vector<16xf32>,
        %mul3A_311 = arith.constant 128 : i32
        %mul3A_312 = arith.muli %scan3A_285, %mul3A_311 : i32
        %add3A_313 = arith.constant 32 : i32
        %add3A_314 = arith.addi %mul3A_312, %add3A_313 : i32
        %add3A_315 = arith.constant 0 : i32
        %add3A_316 = arith.addi %add3A_315, %scan3A_285 : i32
        %get3A_317 = arith.index_cast %add3A_316 : i32 to index
        %get3A_318 = arith.constant 32 : index
        %get3A_319 = tpu.vector_load %arg5[%get3A_317, %get3A_318] {strides = array<i32>} : memref<128x128xi32, #tpu.memory_space<vmem>>, vector<16xi32>,
        %gather3A_320 = tpu.vector_load_idx %arg6[%get3A_319] : memref<100000xf32, #tpu.memory_space<vmem>>[vector<16xi32>], vector<16xf32>,
        %swap3A_321 = arith.constant 0 : i32
        %swap3A_322 = arith.index_cast %swap3A_321 : i32 to index
        %swap3A_323 = arith.index_cast %add3A_314 : i32 to index
        %swap3A_324 = tpu.vector_load %arg7[%swap3A_322, %swap3A_323] {strides = array<i32>} : memref<2x2048xf32, #tpu.memory_space<vmem>>, vector<16xf32>,
        tpu.vector_store %arg7[%swap3A_322, %swap3A_323], %gather3A_320 {strides = array<i32>} : memref<2x2048xf32, #tpu.memory_space<vmem>>, vector<16xf32>,
        %mul3A_325 = arith.constant 128 : i32
        %mul3A_326 = arith.muli %scan3A_285, %mul3A_325 : i32
        %add3A_327 = arith.constant 48 : i32
        %add3A_328 = arith.addi %mul3A_326, %add3A_327 : i32
        %add3A_329 = arith.constant 0 : i32
        %add3A_330 = arith.addi %add3A_329, %scan3A_285 : i32
        %get3A_331 = arith.index_cast %add3A_330 : i32 to index
        %get3A_332 = arith.constant 48 : index
        %get3A_333 = tpu.vector_load %arg5[%get3A_331, %get3A_332] {strides = array<i32>} : memref<128x128xi32, #tpu.memory_space<vmem>>, vector<16xi32>,
        %gather3A_334 = tpu.vector_load_idx %arg6[%get3A_333] : memref<100000xf32, #tpu.memory_space<vmem>>[vector<16xi32>], vector<16xf32>,
        %swap3A_335 = arith.constant 0 : i32
        %swap3A_336 = arith.index_cast %swap3A_335 : i32 to index
        %swap3A_337 = arith.index_cast %add3A_328 : i32 to index
        %swap3A_338 = tpu.vector_load %arg7[%swap3A_336, %swap3A_337] {strides = array<i32>} : memref<2x2048xf32, #tpu.memory_space<vmem>>, vector<16xf32>,
        tpu.vector_store %arg7[%swap3A_336, %swap3A_337], %gather3A_334 {strides = array<i32>} : memref<2x2048xf32, #tpu.memory_space<vmem>>, vector<16xf32>,
        %mul3A_339 = arith.constant 128 : i32
        %mul3A_340 = arith.muli %scan3A_285, %mul3A_339 : i32
        %add3A_341 = arith.constant 64 : i32
        %add3A_342 = arith.addi %mul3A_340, %add3A_341 : i32
        %add3A_343 = arith.constant 0 : i32
        %add3A_344 = arith.addi %add3A_343, %scan3A_285 : i32
        %get3A_345 = arith.index_cast %add3A_344 : i32 to index
        %get3A_346 = arith.constant 64 : index
        %get3A_347 = tpu.vector_load %arg5[%get3A_345, %get3A_346] {strides = array<i32>} : memref<128x128xi32, #tpu.memory_space<vmem>>, vector<16xi32>,
        %gather3A_348 = tpu.vector_load_idx %arg6[%get3A_347] : memref<100000xf32, #tpu.memory_space<vmem>>[vector<16xi32>], vector<16xf32>,
        %swap3A_349 = arith.constant 0 : i32
        %swap3A_350 = arith.index_cast %swap3A_349 : i32 to index
        %swap3A_351 = arith.index_cast %add3A_342 : i32 to index
        %swap3A_352 = tpu.vector_load %arg7[%swap3A_350, %swap3A_351] {strides = array<i32>} : memref<2x2048xf32, #tpu.memory_space<vmem>>, vector<16xf32>,
        tpu.vector_store %arg7[%swap3A_350, %swap3A_351], %gather3A_348 {strides = array<i32>} : memref<2x2048xf32, #tpu.memory_space<vmem>>, vector<16xf32>,
        %mul3A_353 = arith.constant 128 : i32
        %mul3A_354 = arith.muli %scan3A_285, %mul3A_353 : i32
        %add3A_355 = arith.constant 80 : i32
        %add3A_356 = arith.addi %mul3A_354, %add3A_355 : i32
        %add3A_357 = arith.constant 0 : i32
        %add3A_358 = arith.addi %add3A_357, %scan3A_285 : i32
        %get3A_359 = arith.index_cast %add3A_358 : i32 to index
        %get3A_360 = arith.constant 80 : index
        %get3A_361 = tpu.vector_load %arg5[%get3A_359, %get3A_360] {strides = array<i32>} : memref<128x128xi32, #tpu.memory_space<vmem>>, vector<16xi32>,
        %gather3A_362 = tpu.vector_load_idx %arg6[%get3A_361] : memref<100000xf32, #tpu.memory_space<vmem>>[vector<16xi32>], vector<16xf32>,
        %swap3A_363 = arith.constant 0 : i32
        %swap3A_364 = arith.index_cast %swap3A_363 : i32 to index
        %swap3A_365 = arith.index_cast %add3A_356 : i32 to index
        %swap3A_366 = tpu.vector_load %arg7[%swap3A_364, %swap3A_365] {strides = array<i32>} : memref<2x2048xf32, #tpu.memory_space<vmem>>, vector<16xf32>,
        tpu.vector_store %arg7[%swap3A_364, %swap3A_365], %gather3A_362 {strides = array<i32>} : memref<2x2048xf32, #tpu.memory_space<vmem>>, vector<16xf32>,
        %mul3A_367 = arith.constant 128 : i32
        %mul3A_368 = arith.muli %scan3A_285, %mul3A_367 : i32
        %add3A_369 = arith.constant 96 : i32
        %add3A_370 = arith.addi %mul3A_368, %add3A_369 : i32
        %add3A_371 = arith.constant 0 : i32
        %add3A_372 = arith.addi %add3A_371, %scan3A_285 : i32
        %get3A_373 = arith.index_cast %add3A_372 : i32 to index
        %get3A_374 = arith.constant 96 : index
        %get3A_375 = tpu.vector_load %arg5[%get3A_373, %get3A_374] {strides = array<i32>} : memref<128x128xi32, #tpu.memory_space<vmem>>, vector<16xi32>,
        %gather3A_376 = tpu.vector_load_idx %arg6[%get3A_375] : memref<100000xf32, #tpu.memory_space<vmem>>[vector<16xi32>], vector<16xf32>,
        %swap3A_377 = arith.constant 0 : i32
        %swap3A_378 = arith.index_cast %swap3A_377 : i32 to index
        %swap3A_379 = arith.index_cast %add3A_370 : i32 to index
        %swap3A_380 = tpu.vector_load %arg7[%swap3A_378, %swap3A_379] {strides = array<i32>} : memref<2x2048xf32, #tpu.memory_space<vmem>>, vector<16xf32>,
        tpu.vector_store %arg7[%swap3A_378, %swap3A_379], %gather3A_376 {strides = array<i32>} : memref<2x2048xf32, #tpu.memory_space<vmem>>, vector<16xf32>,
        %mul3A_381 = arith.constant 128 : i32
        %mul3A_382 = arith.muli %scan3A_285, %mul3A_381 : i32
        %add3A_383 = arith.constant 112 : i32
        %add3A_384 = arith.addi %mul3A_382, %add3A_383 : i32
        %add3A_385 = arith.constant 0 : i32
        %add3A_386 = arith.addi %add3A_385, %scan3A_285 : i32
        %get3A_387 = arith.index_cast %add3A_386 : i32 to index
        %get3A_388 = arith.constant 112 : index
        %get3A_389 = tpu.vector_load %arg5[%get3A_387, %get3A_388] {strides = array<i32>} : memref<128x128xi32, #tpu.memory_space<vmem>>, vector<16xi32>,
        %gather3A_390 = tpu.vector_load_idx %arg6[%get3A_389] : memref<100000xf32, #tpu.memory_space<vmem>>[vector<16xi32>], vector<16xf32>,
        %swap3A_391 = arith.constant 0 : i32
        %swap3A_392 = arith.index_cast %swap3A_391 : i32 to index
        %swap3A_393 = arith.index_cast %add3A_384 : i32 to index
        %swap3A_394 = tpu.vector_load %arg7[%swap3A_392, %swap3A_393] {strides = array<i32>} : memref<2x2048xf32, #tpu.memory_space<vmem>>, vector<16xf32>,
        tpu.vector_store %arg7[%swap3A_392, %swap3A_393], %gather3A_390 {strides = array<i32>} : memref<2x2048xf32, #tpu.memory_space<vmem>>, vector<16xf32>,
      }
      %scan3A_55 = arith.constant 16 : i32
      %dma_start3A_56 = arith.constant 0 : i32
      %dma_start3A_57 = arith.constant 0 : i32
      %dma_start3A_58 = tpu.memref_slice %arg7[%dma_start3A_56, %dma_start3A_57] : memref<2x2048xf32, #tpu.memory_space<vmem>> -> memref<1x2048xf32, #tpu.memory_space<vmem>>
      %dma_start3A_59 = tpu.memref_squeeze %dma_start3A_58 : memref<1x2048xf32, #tpu.memory_space<vmem>> -> memref<2048xf32, #tpu.memory_space<vmem>>
      %dma_start3A_60 = arith.constant 0 : i32
      %dma_start3A_61 = tpu.memref_slice %arg4[%add3A_36, %dma_start3A_60] : memref<832x16384xf32, #tpu.memory_space<hbm>> -> memref<1x2048xf32, #tpu.memory_space<hbm>>
      %dma_start3A_62 = tpu.memref_squeeze %dma_start3A_61 : memref<1x2048xf32, #tpu.memory_space<hbm>> -> memref<2048xf32, #tpu.memory_space<hbm>>
      %dma_start3A_63 = arith.constant 0 : i32
      %dma_start3A_64 = tpu.memref_slice %arg4[%add3A_36, %dma_start3A_63] : memref<832x16384xf32, #tpu.memory_space<hbm>> -> memref<1x2048xf32, #tpu.memory_space<hbm>>
      %dma_start3A_65 = tpu.memref_squeeze %dma_start3A_64 : memref<1x2048xf32, #tpu.memory_space<hbm>> -> memref<2048xf32, #tpu.memory_space<hbm>>
      %dma_start3A_66 = arith.constant 0 : i32
      %dma_start3A_67 = tpu.memref_slice %arg7[%dma_start3A_56, %dma_start3A_66] : memref<2x2048xf32, #tpu.memory_space<vmem>> -> memref<1x2048xf32, #tpu.memory_space<vmem>>
      %dma_start3A_68 = tpu.memref_squeeze %dma_start3A_67 : memref<1x2048xf32, #tpu.memory_space<vmem>> -> memref<2048xf32, #tpu.memory_space<vmem>>
      tpu.enqueue_dma source(%dma_start3A_68 : memref<2048xf32, #tpu.memory_space<vmem>>) target(%dma_start3A_65 : memref<2048xf32, #tpu.memory_space<hbm>>) target_semaphore(%arg8 : memref<!tpu.dma_semaphore, #tpu.memory_space<semaphore_mem>>)
      %gt3A_69 = arith.constant 0 : i32
      %gt3A_70 = arith.cmpi sgt, %scan3A_33, %gt3A_69 : i32
      %convert_element_type3A_71 = arith.extui %gt3A_70 : i1 to i32
      %cond3A_72 = arith.constant 0 : i32
      %cond3A_73 = arith.cmpi ne, %convert_element_type3A_71, %cond3A_72 : i32
      scf.if %cond3A_73 {
        %dma_wait3A_285 = arith.constant 1 : i32
        %dma_wait3A_286 = arith.constant 0 : i32
        %dma_wait3A_287 = tpu.memref_slice %arg7[%dma_wait3A_285, %dma_wait3A_286] : memref<2x2048xf32, #tpu.memory_space<vmem>> -> memref<1x2048xf32, #tpu.memory_space<vmem>>
        %dma_wait3A_288 = tpu.memref_squeeze %dma_wait3A_287 : memref<1x2048xf32, #tpu.memory_space<vmem>> -> memref<2048xf32, #tpu.memory_space<vmem>>
        %dma_wait3A_289 = arith.constant 0 : i32
        %dma_wait3A_290 = tpu.memref_slice %arg4[%add3A_36, %dma_wait3A_289] : memref<832x16384xf32, #tpu.memory_space<hbm>> -> memref<1x2048xf32, #tpu.memory_space<hbm>>
        %dma_wait3A_291 = tpu.memref_squeeze %dma_wait3A_290 : memref<1x2048xf32, #tpu.memory_space<hbm>> -> memref<2048xf32, #tpu.memory_space<hbm>>
        %dma_wait3A_292 = arith.constant 0 : i32
        %dma_wait3A_293 = tpu.memref_slice %arg4[%add3A_36, %dma_wait3A_292] : memref<832x16384xf32, #tpu.memory_space<hbm>> -> memref<1x2048xf32, #tpu.memory_space<hbm>>
        %dma_wait3A_294 = tpu.memref_squeeze %dma_wait3A_293 : memref<1x2048xf32, #tpu.memory_space<hbm>> -> memref<2048xf32, #tpu.memory_space<hbm>>
        %dma_wait3A_295 = arith.constant 0 : i32
        %dma_wait3A_296 = tpu.memref_slice %arg7[%dma_wait3A_285, %dma_wait3A_295] : memref<2x2048xf32, #tpu.memory_space<vmem>> -> memref<1x2048xf32, #tpu.memory_space<vmem>>
        %dma_wait3A_297 = tpu.memref_squeeze %dma_wait3A_296 : memref<1x2048xf32, #tpu.memory_space<vmem>> -> memref<2048xf32, #tpu.memory_space<vmem>>
        tpu.wait_dma2 semaphore(%arg9 : memref<!tpu.dma_semaphore, #tpu.memory_space<semaphore_mem>>) src(%dma_wait3A_297 : memref<2048xf32, #tpu.memory_space<vmem>>) dst(%dma_wait3A_294 : memref<2048xf32, #tpu.memory_space<hbm>>)
      } else {
      }
      %scan3A_74 = arith.constant 0 : i32
      %scan3A_75 = arith.constant 0 : i32
      %scan3A_76 = arith.constant 16 : i32
      %scan3A_77 = arith.addi %scan3A_75, %scan3A_76 : i32
      %scan3A_78 = arith.constant 1 : i32
      scf.for %scan3A_285 = %scan3A_75 to %scan3A_77 step %scan3A_78  : i32 {
        %mul3A_286 = arith.constant 128 : i32
        %mul3A_287 = arith.muli %scan3A_285, %mul3A_286 : i32
        %add3A_288 = arith.constant 0 : i32
        %add3A_289 = arith.addi %mul3A_287, %add3A_288 : i32
        %add3A_290 = arith.constant 16 : i32
        %add3A_291 = arith.addi %add3A_290, %scan3A_285 : i32
        %get3A = arith.index_cast %add3A_291 : i32 to index
        %get3A_292 = arith.constant 0 : index
        %get3A_293 = tpu.vector_load %arg5[%get3A, %get3A_292] {strides = array<i32>} : memref<128x128xi32, #tpu.memory_space<vmem>>, vector<16xi32>,
        %gather3A = tpu.vector_load_idx %arg6[%get3A_293] : memref<100000xf32, #tpu.memory_space<vmem>>[vector<16xi32>], vector<16xf32>,
        %swap3A = arith.constant 1 : i32
        %swap3A_294 = arith.index_cast %swap3A : i32 to index
        %swap3A_295 = arith.index_cast %add3A_289 : i32 to index
        %swap3A_296 = tpu.vector_load %arg7[%swap3A_294, %swap3A_295] {strides = array<i32>} : memref<2x2048xf32, #tpu.memory_space<vmem>>, vector<16xf32>,
        tpu.vector_store %arg7[%swap3A_294, %swap3A_295], %gather3A {strides = array<i32>} : memref<2x2048xf32, #tpu.memory_space<vmem>>, vector<16xf32>,
        %mul3A_297 = arith.constant 128 : i32
        %mul3A_298 = arith.muli %scan3A_285, %mul3A_297 : i32
        %add3A_299 = arith.constant 16 : i32
        %add3A_300 = arith.addi %mul3A_298, %add3A_299 : i32
        %add3A_301 = arith.constant 16 : i32
        %add3A_302 = arith.addi %add3A_301, %scan3A_285 : i32
        %get3A_303 = arith.index_cast %add3A_302 : i32 to index
        %get3A_304 = arith.constant 16 : index
        %get3A_305 = tpu.vector_load %arg5[%get3A_303, %get3A_304] {strides = array<i32>} : memref<128x128xi32, #tpu.memory_space<vmem>>, vector<16xi32>,
        %gather3A_306 = tpu.vector_load_idx %arg6[%get3A_305] : memref<100000xf32, #tpu.memory_space<vmem>>[vector<16xi32>], vector<16xf32>,
        %swap3A_307 = arith.constant 1 : i32
        %swap3A_308 = arith.index_cast %swap3A_307 : i32 to index
        %swap3A_309 = arith.index_cast %add3A_300 : i32 to index
        %swap3A_310 = tpu.vector_load %arg7[%swap3A_308, %swap3A_309] {strides = array<i32>} : memref<2x2048xf32, #tpu.memory_space<vmem>>, vector<16xf32>,
        tpu.vector_store %arg7[%swap3A_308, %swap3A_309], %gather3A_306 {strides = array<i32>} : memref<2x2048xf32, #tpu.memory_space<vmem>>, vector<16xf32>,
        %mul3A_311 = arith.constant 128 : i32
        %mul3A_312 = arith.muli %scan3A_285, %mul3A_311 : i32
        %add3A_313 = arith.constant 32 : i32
        %add3A_314 = arith.addi %mul3A_312, %add3A_313 : i32
        %add3A_315 = arith.constant 16 : i32
        %add3A_316 = arith.addi %add3A_315, %scan3A_285 : i32
        %get3A_317 = arith.index_cast %add3A_316 : i32 to index
        %get3A_318 = arith.constant 32 : index
        %get3A_319 = tpu.vector_load %arg5[%get3A_317, %get3A_318] {strides = array<i32>} : memref<128x128xi32, #tpu.memory_space<vmem>>, vector<16xi32>,
        %gather3A_320 = tpu.vector_load_idx %arg6[%get3A_319] : memref<100000xf32, #tpu.memory_space<vmem>>[vector<16xi32>], vector<16xf32>,
        %swap3A_321 = arith.constant 1 : i32
        %swap3A_322 = arith.index_cast %swap3A_321 : i32 to index
        %swap3A_323 = arith.index_cast %add3A_314 : i32 to index
        %swap3A_324 = tpu.vector_load %arg7[%swap3A_322, %swap3A_323] {strides = array<i32>} : memref<2x2048xf32, #tpu.memory_space<vmem>>, vector<16xf32>,
        tpu.vector_store %arg7[%swap3A_322, %swap3A_323], %gather3A_320 {strides = array<i32>} : memref<2x2048xf32, #tpu.memory_space<vmem>>, vector<16xf32>,
        %mul3A_325 = arith.constant 128 : i32
        %mul3A_326 = arith.muli %scan3A_285, %mul3A_325 : i32
        %add3A_327 = arith.constant 48 : i32
        %add3A_328 = arith.addi %mul3A_326, %add3A_327 : i32
        %add3A_329 = arith.constant 16 : i32
        %add3A_330 = arith.addi %add3A_329, %scan3A_285 : i32
        %get3A_331 = arith.index_cast %add3A_330 : i32 to index
        %get3A_332 = arith.constant 48 : index
        %get3A_333 = tpu.vector_load %arg5[%get3A_331, %get3A_332] {strides = array<i32>} : memref<128x128xi32, #tpu.memory_space<vmem>>, vector<16xi32>,
        %gather3A_334 = tpu.vector_load_idx %arg6[%get3A_333] : memref<100000xf32, #tpu.memory_space<vmem>>[vector<16xi32>], vector<16xf32>,
        %swap3A_335 = arith.constant 1 : i32
        %swap3A_336 = arith.index_cast %swap3A_335 : i32 to index
        %swap3A_337 = arith.index_cast %add3A_328 : i32 to index
        %swap3A_338 = tpu.vector_load %arg7[%swap3A_336, %swap3A_337] {strides = array<i32>} : memref<2x2048xf32, #tpu.memory_space<vmem>>, vector<16xf32>,
        tpu.vector_store %arg7[%swap3A_336, %swap3A_337], %gather3A_334 {strides = array<i32>} : memref<2x2048xf32, #tpu.memory_space<vmem>>, vector<16xf32>,
        %mul3A_339 = arith.constant 128 : i32
        %mul3A_340 = arith.muli %scan3A_285, %mul3A_339 : i32
        %add3A_341 = arith.constant 64 : i32
        %add3A_342 = arith.addi %mul3A_340, %add3A_341 : i32
        %add3A_343 = arith.constant 16 : i32
        %add3A_344 = arith.addi %add3A_343, %scan3A_285 : i32
        %get3A_345 = arith.index_cast %add3A_344 : i32 to index
        %get3A_346 = arith.constant 64 : index
        %get3A_347 = tpu.vector_load %arg5[%get3A_345, %get3A_346] {strides = array<i32>} : memref<128x128xi32, #tpu.memory_space<vmem>>, vector<16xi32>,
        %gather3A_348 = tpu.vector_load_idx %arg6[%get3A_347] : memref<100000xf32, #tpu.memory_space<vmem>>[vector<16xi32>], vector<16xf32>,
        %swap3A_349 = arith.constant 1 : i32
        %swap3A_350 = arith.index_cast %swap3A_349 : i32 to index
        %swap3A_351 = arith.index_cast %add3A_342 : i32 to index
        %swap3A_352 = tpu.vector_load %arg7[%swap3A_350, %swap3A_351] {strides = array<i32>} : memref<2x2048xf32, #tpu.memory_space<vmem>>, vector<16xf32>,
        tpu.vector_store %arg7[%swap3A_350, %swap3A_351], %gather3A_348 {strides = array<i32>} : memref<2x2048xf32, #tpu.memory_space<vmem>>, vector<16xf32>,
        %mul3A_353 = arith.constant 128 : i32
        %mul3A_354 = arith.muli %scan3A_285, %mul3A_353 : i32
        %add3A_355 = arith.constant 80 : i32
        %add3A_356 = arith.addi %mul3A_354, %add3A_355 : i32
        %add3A_357 = arith.constant 16 : i32
        %add3A_358 = arith.addi %add3A_357, %scan3A_285 : i32
        %get3A_359 = arith.index_cast %add3A_358 : i32 to index
        %get3A_360 = arith.constant 80 : index
        %get3A_361 = tpu.vector_load %arg5[%get3A_359, %get3A_360] {strides = array<i32>} : memref<128x128xi32, #tpu.memory_space<vmem>>, vector<16xi32>,
        %gather3A_362 = tpu.vector_load_idx %arg6[%get3A_361] : memref<100000xf32, #tpu.memory_space<vmem>>[vector<16xi32>], vector<16xf32>,
        %swap3A_363 = arith.constant 1 : i32
        %swap3A_364 = arith.index_cast %swap3A_363 : i32 to index
        %swap3A_365 = arith.index_cast %add3A_356 : i32 to index
        %swap3A_366 = tpu.vector_load %arg7[%swap3A_364, %swap3A_365] {strides = array<i32>} : memref<2x2048xf32, #tpu.memory_space<vmem>>, vector<16xf32>,
        tpu.vector_store %arg7[%swap3A_364, %swap3A_365], %gather3A_362 {strides = array<i32>} : memref<2x2048xf32, #tpu.memory_space<vmem>>, vector<16xf32>,
        %mul3A_367 = arith.constant 128 : i32
        %mul3A_368 = arith.muli %scan3A_285, %mul3A_367 : i32
        %add3A_369 = arith.constant 96 : i32
        %add3A_370 = arith.addi %mul3A_368, %add3A_369 : i32
        %add3A_371 = arith.constant 16 : i32
        %add3A_372 = arith.addi %add3A_371, %scan3A_285 : i32
        %get3A_373 = arith.index_cast %add3A_372 : i32 to index
        %get3A_374 = arith.constant 96 : index
        %get3A_375 = tpu.vector_load %arg5[%get3A_373, %get3A_374] {strides = array<i32>} : memref<128x128xi32, #tpu.memory_space<vmem>>, vector<16xi32>,
        %gather3A_376 = tpu.vector_load_idx %arg6[%get3A_375] : memref<100000xf32, #tpu.memory_space<vmem>>[vector<16xi32>], vector<16xf32>,
        %swap3A_377 = arith.constant 1 : i32
        %swap3A_378 = arith.index_cast %swap3A_377 : i32 to index
        %swap3A_379 = arith.index_cast %add3A_370 : i32 to index
        %swap3A_380 = tpu.vector_load %arg7[%swap3A_378, %swap3A_379] {strides = array<i32>} : memref<2x2048xf32, #tpu.memory_space<vmem>>, vector<16xf32>,
        tpu.vector_store %arg7[%swap3A_378, %swap3A_379], %gather3A_376 {strides = array<i32>} : memref<2x2048xf32, #tpu.memory_space<vmem>>, vector<16xf32>,
        %mul3A_381 = arith.constant 128 : i32
        %mul3A_382 = arith.muli %scan3A_285, %mul3A_381 : i32
        %add3A_383 = arith.constant 112 : i32
        %add3A_384 = arith.addi %mul3A_382, %add3A_383 : i32
        %add3A_385 = arith.constant 16 : i32
        %add3A_386 = arith.addi %add3A_385, %scan3A_285 : i32
        %get3A_387 = arith.index_cast %add3A_386 : i32 to index
        %get3A_388 = arith.constant 112 : index
        %get3A_389 = tpu.vector_load %arg5[%get3A_387, %get3A_388] {strides = array<i32>} : memref<128x128xi32, #tpu.memory_space<vmem>>, vector<16xi32>,
        %gather3A_390 = tpu.vector_load_idx %arg6[%get3A_389] : memref<100000xf32, #tpu.memory_space<vmem>>[vector<16xi32>], vector<16xf32>,
        %swap3A_391 = arith.constant 1 : i32
        %swap3A_392 = arith.index_cast %swap3A_391 : i32 to index
        %swap3A_393 = arith.index_cast %add3A_384 : i32 to index
        %swap3A_394 = tpu.vector_load %arg7[%swap3A_392, %swap3A_393] {strides = array<i32>} : memref<2x2048xf32, #tpu.memory_space<vmem>>, vector<16xf32>,
        tpu.vector_store %arg7[%swap3A_392, %swap3A_393], %gather3A_390 {strides = array<i32>} : memref<2x2048xf32, #tpu.memory_space<vmem>>, vector<16xf32>,
      }
      %scan3A_79 = arith.constant 16 : i32
      %dma_start3A_80 = arith.constant 1 : i32
      %dma_start3A_81 = arith.constant 0 : i32
      %dma_start3A_82 = tpu.memref_slice %arg7[%dma_start3A_80, %dma_start3A_81] : memref<2x2048xf32, #tpu.memory_space<vmem>> -> memref<1x2048xf32, #tpu.memory_space<vmem>>
      %dma_start3A_83 = tpu.memref_squeeze %dma_start3A_82 : memref<1x2048xf32, #tpu.memory_space<vmem>> -> memref<2048xf32, #tpu.memory_space<vmem>>
      %dma_start3A_84 = arith.constant 2048 : i32
      %dma_start3A_85 = tpu.memref_slice %arg4[%add3A_36, %dma_start3A_84] : memref<832x16384xf32, #tpu.memory_space<hbm>> -> memref<1x2048xf32, #tpu.memory_space<hbm>>
      %dma_start3A_86 = tpu.memref_squeeze %dma_start3A_85 : memref<1x2048xf32, #tpu.memory_space<hbm>> -> memref<2048xf32, #tpu.memory_space<hbm>>
      %dma_start3A_87 = arith.constant 2048 : i32
      %dma_start3A_88 = tpu.memref_slice %arg4[%add3A_36, %dma_start3A_87] : memref<832x16384xf32, #tpu.memory_space<hbm>> -> memref<1x2048xf32, #tpu.memory_space<hbm>>
      %dma_start3A_89 = tpu.memref_squeeze %dma_start3A_88 : memref<1x2048xf32, #tpu.memory_space<hbm>> -> memref<2048xf32, #tpu.memory_space<hbm>>
      %dma_start3A_90 = arith.constant 0 : i32
      %dma_start3A_91 = tpu.memref_slice %arg7[%dma_start3A_80, %dma_start3A_90] : memref<2x2048xf32, #tpu.memory_space<vmem>> -> memref<1x2048xf32, #tpu.memory_space<vmem>>
      %dma_start3A_92 = tpu.memref_squeeze %dma_start3A_91 : memref<1x2048xf32, #tpu.memory_space<vmem>> -> memref<2048xf32, #tpu.memory_space<vmem>>
      tpu.enqueue_dma source(%dma_start3A_92 : memref<2048xf32, #tpu.memory_space<vmem>>) target(%dma_start3A_89 : memref<2048xf32, #tpu.memory_space<hbm>>) target_semaphore(%arg9 : memref<!tpu.dma_semaphore, #tpu.memory_space<semaphore_mem>>)
      %dma_wait3A_93 = arith.constant 0 : i32
      %dma_wait3A_94 = arith.constant 0 : i32
      %dma_wait3A_95 = tpu.memref_slice %arg7[%dma_wait3A_93, %dma_wait3A_94] : memref<2x2048xf32, #tpu.memory_space<vmem>> -> memref<1x2048xf32, #tpu.memory_space<vmem>>
      %dma_wait3A_96 = tpu.memref_squeeze %dma_wait3A_95 : memref<1x2048xf32, #tpu.memory_space<vmem>> -> memref<2048xf32, #tpu.memory_space<vmem>>
      %dma_wait3A_97 = arith.constant 0 : i32
      %dma_wait3A_98 = tpu.memref_slice %arg4[%add3A_36, %dma_wait3A_97] : memref<832x16384xf32, #tpu.memory_space<hbm>> -> memref<1x2048xf32, #tpu.memory_space<hbm>>
      %dma_wait3A_99 = tpu.memref_squeeze %dma_wait3A_98 : memref<1x2048xf32, #tpu.memory_space<hbm>> -> memref<2048xf32, #tpu.memory_space<hbm>>
      %dma_wait3A_100 = arith.constant 0 : i32
      %dma_wait3A_101 = tpu.memref_slice %arg4[%add3A_36, %dma_wait3A_100] : memref<832x16384xf32, #tpu.memory_space<hbm>> -> memref<1x2048xf32, #tpu.memory_space<hbm>>
      %dma_wait3A_102 = tpu.memref_squeeze %dma_wait3A_101 : memref<1x2048xf32, #tpu.memory_space<hbm>> -> memref<2048xf32, #tpu.memory_space<hbm>>
      %dma_wait3A_103 = arith.constant 0 : i32
      %dma_wait3A_104 = tpu.memref_slice %arg7[%dma_wait3A_93, %dma_wait3A_103] : memref<2x2048xf32, #tpu.memory_space<vmem>> -> memref<1x2048xf32, #tpu.memory_space<vmem>>
      %dma_wait3A_105 = tpu.memref_squeeze %dma_wait3A_104 : memref<1x2048xf32, #tpu.memory_space<vmem>> -> memref<2048xf32, #tpu.memory_space<vmem>>
      tpu.wait_dma2 semaphore(%arg8 : memref<!tpu.dma_semaphore, #tpu.memory_space<semaphore_mem>>) src(%dma_wait3A_105 : memref<2048xf32, #tpu.memory_space<vmem>>) dst(%dma_wait3A_102 : memref<2048xf32, #tpu.memory_space<hbm>>)
      %scan3A_106 = arith.constant 0 : i32
      %scan3A_107 = arith.constant 0 : i32
      %scan3A_108 = arith.constant 16 : i32
      %scan3A_109 = arith.addi %scan3A_107, %scan3A_108 : i32
      %scan3A_110 = arith.constant 1 : i32
      scf.for %scan3A_285 = %scan3A_107 to %scan3A_109 step %scan3A_110  : i32 {
        %mul3A_286 = arith.constant 128 : i32
        %mul3A_287 = arith.muli %scan3A_285, %mul3A_286 : i32
        %add3A_288 = arith.constant 0 : i32
        %add3A_289 = arith.addi %mul3A_287, %add3A_288 : i32
        %add3A_290 = arith.constant 32 : i32
        %add3A_291 = arith.addi %add3A_290, %scan3A_285 : i32
        %get3A = arith.index_cast %add3A_291 : i32 to index
        %get3A_292 = arith.constant 0 : index
        %get3A_293 = tpu.vector_load %arg5[%get3A, %get3A_292] {strides = array<i32>} : memref<128x128xi32, #tpu.memory_space<vmem>>, vector<16xi32>,
        %gather3A = tpu.vector_load_idx %arg6[%get3A_293] : memref<100000xf32, #tpu.memory_space<vmem>>[vector<16xi32>], vector<16xf32>,
        %swap3A = arith.constant 0 : i32
        %swap3A_294 = arith.index_cast %swap3A : i32 to index
        %swap3A_295 = arith.index_cast %add3A_289 : i32 to index
        %swap3A_296 = tpu.vector_load %arg7[%swap3A_294, %swap3A_295] {strides = array<i32>} : memref<2x2048xf32, #tpu.memory_space<vmem>>, vector<16xf32>,
        tpu.vector_store %arg7[%swap3A_294, %swap3A_295], %gather3A {strides = array<i32>} : memref<2x2048xf32, #tpu.memory_space<vmem>>, vector<16xf32>,
        %mul3A_297 = arith.constant 128 : i32
        %mul3A_298 = arith.muli %scan3A_285, %mul3A_297 : i32
        %add3A_299 = arith.constant 16 : i32
        %add3A_300 = arith.addi %mul3A_298, %add3A_299 : i32
        %add3A_301 = arith.constant 32 : i32
        %add3A_302 = arith.addi %add3A_301, %scan3A_285 : i32
        %get3A_303 = arith.index_cast %add3A_302 : i32 to index
        %get3A_304 = arith.constant 16 : index
        %get3A_305 = tpu.vector_load %arg5[%get3A_303, %get3A_304] {strides = array<i32>} : memref<128x128xi32, #tpu.memory_space<vmem>>, vector<16xi32>,
        %gather3A_306 = tpu.vector_load_idx %arg6[%get3A_305] : memref<100000xf32, #tpu.memory_space<vmem>>[vector<16xi32>], vector<16xf32>,
        %swap3A_307 = arith.constant 0 : i32
        %swap3A_308 = arith.index_cast %swap3A_307 : i32 to index
        %swap3A_309 = arith.index_cast %add3A_300 : i32 to index
        %swap3A_310 = tpu.vector_load %arg7[%swap3A_308, %swap3A_309] {strides = array<i32>} : memref<2x2048xf32, #tpu.memory_space<vmem>>, vector<16xf32>,
        tpu.vector_store %arg7[%swap3A_308, %swap3A_309], %gather3A_306 {strides = array<i32>} : memref<2x2048xf32, #tpu.memory_space<vmem>>, vector<16xf32>,
        %mul3A_311 = arith.constant 128 : i32
        %mul3A_312 = arith.muli %scan3A_285, %mul3A_311 : i32
        %add3A_313 = arith.constant 32 : i32
        %add3A_314 = arith.addi %mul3A_312, %add3A_313 : i32
        %add3A_315 = arith.constant 32 : i32
        %add3A_316 = arith.addi %add3A_315, %scan3A_285 : i32
        %get3A_317 = arith.index_cast %add3A_316 : i32 to index
        %get3A_318 = arith.constant 32 : index
        %get3A_319 = tpu.vector_load %arg5[%get3A_317, %get3A_318] {strides = array<i32>} : memref<128x128xi32, #tpu.memory_space<vmem>>, vector<16xi32>,
        %gather3A_320 = tpu.vector_load_idx %arg6[%get3A_319] : memref<100000xf32, #tpu.memory_space<vmem>>[vector<16xi32>], vector<16xf32>,
        %swap3A_321 = arith.constant 0 : i32
        %swap3A_322 = arith.index_cast %swap3A_321 : i32 to index
        %swap3A_323 = arith.index_cast %add3A_314 : i32 to index
        %swap3A_324 = tpu.vector_load %arg7[%swap3A_322, %swap3A_323] {strides = array<i32>} : memref<2x2048xf32, #tpu.memory_space<vmem>>, vector<16xf32>,
        tpu.vector_store %arg7[%swap3A_322, %swap3A_323], %gather3A_320 {strides = array<i32>} : memref<2x2048xf32, #tpu.memory_space<vmem>>, vector<16xf32>,
        %mul3A_325 = arith.constant 128 : i32
        %mul3A_326 = arith.muli %scan3A_285, %mul3A_325 : i32
        %add3A_327 = arith.constant 48 : i32
        %add3A_328 = arith.addi %mul3A_326, %add3A_327 : i32
        %add3A_329 = arith.constant 32 : i32
        %add3A_330 = arith.addi %add3A_329, %scan3A_285 : i32
        %get3A_331 = arith.index_cast %add3A_330 : i32 to index
        %get3A_332 = arith.constant 48 : index
        %get3A_333 = tpu.vector_load %arg5[%get3A_331, %get3A_332] {strides = array<i32>} : memref<128x128xi32, #tpu.memory_space<vmem>>, vector<16xi32>,
        %gather3A_334 = tpu.vector_load_idx %arg6[%get3A_333] : memref<100000xf32, #tpu.memory_space<vmem>>[vector<16xi32>], vector<16xf32>,
        %swap3A_335 = arith.constant 0 : i32
        %swap3A_336 = arith.index_cast %swap3A_335 : i32 to index
        %swap3A_337 = arith.index_cast %add3A_328 : i32 to index
        %swap3A_338 = tpu.vector_load %arg7[%swap3A_336, %swap3A_337] {strides = array<i32>} : memref<2x2048xf32, #tpu.memory_space<vmem>>, vector<16xf32>,
        tpu.vector_store %arg7[%swap3A_336, %swap3A_337], %gather3A_334 {strides = array<i32>} : memref<2x2048xf32, #tpu.memory_space<vmem>>, vector<16xf32>,
        %mul3A_339 = arith.constant 128 : i32
        %mul3A_340 = arith.muli %scan3A_285, %mul3A_339 : i32
        %add3A_341 = arith.constant 64 : i32
        %add3A_342 = arith.addi %mul3A_340, %add3A_341 : i32
        %add3A_343 = arith.constant 32 : i32
        %add3A_344 = arith.addi %add3A_343, %scan3A_285 : i32
        %get3A_345 = arith.index_cast %add3A_344 : i32 to index
        %get3A_346 = arith.constant 64 : index
        %get3A_347 = tpu.vector_load %arg5[%get3A_345, %get3A_346] {strides = array<i32>} : memref<128x128xi32, #tpu.memory_space<vmem>>, vector<16xi32>,
        %gather3A_348 = tpu.vector_load_idx %arg6[%get3A_347] : memref<100000xf32, #tpu.memory_space<vmem>>[vector<16xi32>], vector<16xf32>,
        %swap3A_349 = arith.constant 0 : i32
        %swap3A_350 = arith.index_cast %swap3A_349 : i32 to index
        %swap3A_351 = arith.index_cast %add3A_342 : i32 to index
        %swap3A_352 = tpu.vector_load %arg7[%swap3A_350, %swap3A_351] {strides = array<i32>} : memref<2x2048xf32, #tpu.memory_space<vmem>>, vector<16xf32>,
        tpu.vector_store %arg7[%swap3A_350, %swap3A_351], %gather3A_348 {strides = array<i32>} : memref<2x2048xf32, #tpu.memory_space<vmem>>, vector<16xf32>,
        %mul3A_353 = arith.constant 128 : i32
        %mul3A_354 = arith.muli %scan3A_285, %mul3A_353 : i32
        %add3A_355 = arith.constant 80 : i32
        %add3A_356 = arith.addi %mul3A_354, %add3A_355 : i32
        %add3A_357 = arith.constant 32 : i32
        %add3A_358 = arith.addi %add3A_357, %scan3A_285 : i32
        %get3A_359 = arith.index_cast %add3A_358 : i32 to index
        %get3A_360 = arith.constant 80 : index
        %get3A_361 = tpu.vector_load %arg5[%get3A_359, %get3A_360] {strides = array<i32>} : memref<128x128xi32, #tpu.memory_space<vmem>>, vector<16xi32>,
        %gather3A_362 = tpu.vector_load_idx %arg6[%get3A_361] : memref<100000xf32, #tpu.memory_space<vmem>>[vector<16xi32>], vector<16xf32>,
        %swap3A_363 = arith.constant 0 : i32
        %swap3A_364 = arith.index_cast %swap3A_363 : i32 to index
        %swap3A_365 = arith.index_cast %add3A_356 : i32 to index
        %swap3A_366 = tpu.vector_load %arg7[%swap3A_364, %swap3A_365] {strides = array<i32>} : memref<2x2048xf32, #tpu.memory_space<vmem>>, vector<16xf32>,
        tpu.vector_store %arg7[%swap3A_364, %swap3A_365], %gather3A_362 {strides = array<i32>} : memref<2x2048xf32, #tpu.memory_space<vmem>>, vector<16xf32>,
        %mul3A_367 = arith.constant 128 : i32
        %mul3A_368 = arith.muli %scan3A_285, %mul3A_367 : i32
        %add3A_369 = arith.constant 96 : i32
        %add3A_370 = arith.addi %mul3A_368, %add3A_369 : i32
        %add3A_371 = arith.constant 32 : i32
        %add3A_372 = arith.addi %add3A_371, %scan3A_285 : i32
        %get3A_373 = arith.index_cast %add3A_372 : i32 to index
        %get3A_374 = arith.constant 96 : index
        %get3A_375 = tpu.vector_load %arg5[%get3A_373, %get3A_374] {strides = array<i32>} : memref<128x128xi32, #tpu.memory_space<vmem>>, vector<16xi32>,
        %gather3A_376 = tpu.vector_load_idx %arg6[%get3A_375] : memref<100000xf32, #tpu.memory_space<vmem>>[vector<16xi32>], vector<16xf32>,
        %swap3A_377 = arith.constant 0 : i32
        %swap3A_378 = arith.index_cast %swap3A_377 : i32 to index
        %swap3A_379 = arith.index_cast %add3A_370 : i32 to index
        %swap3A_380 = tpu.vector_load %arg7[%swap3A_378, %swap3A_379] {strides = array<i32>} : memref<2x2048xf32, #tpu.memory_space<vmem>>, vector<16xf32>,
        tpu.vector_store %arg7[%swap3A_378, %swap3A_379], %gather3A_376 {strides = array<i32>} : memref<2x2048xf32, #tpu.memory_space<vmem>>, vector<16xf32>,
        %mul3A_381 = arith.constant 128 : i32
        %mul3A_382 = arith.muli %scan3A_285, %mul3A_381 : i32
        %add3A_383 = arith.constant 112 : i32
        %add3A_384 = arith.addi %mul3A_382, %add3A_383 : i32
        %add3A_385 = arith.constant 32 : i32
        %add3A_386 = arith.addi %add3A_385, %scan3A_285 : i32
        %get3A_387 = arith.index_cast %add3A_386 : i32 to index
        %get3A_388 = arith.constant 112 : index
        %get3A_389 = tpu.vector_load %arg5[%get3A_387, %get3A_388] {strides = array<i32>} : memref<128x128xi32, #tpu.memory_space<vmem>>, vector<16xi32>,
        %gather3A_390 = tpu.vector_load_idx %arg6[%get3A_389] : memref<100000xf32, #tpu.memory_space<vmem>>[vector<16xi32>], vector<16xf32>,
        %swap3A_391 = arith.constant 0 : i32
        %swap3A_392 = arith.index_cast %swap3A_391 : i32 to index
        %swap3A_393 = arith.index_cast %add3A_384 : i32 to index
        %swap3A_394 = tpu.vector_load %arg7[%swap3A_392, %swap3A_393] {strides = array<i32>} : memref<2x2048xf32, #tpu.memory_space<vmem>>, vector<16xf32>,
        tpu.vector_store %arg7[%swap3A_392, %swap3A_393], %gather3A_390 {strides = array<i32>} : memref<2x2048xf32, #tpu.memory_space<vmem>>, vector<16xf32>,
      }
      %scan3A_111 = arith.constant 16 : i32
      %dma_start3A_112 = arith.constant 0 : i32
      %dma_start3A_113 = arith.constant 0 : i32
      %dma_start3A_114 = tpu.memref_slice %arg7[%dma_start3A_112, %dma_start3A_113] : memref<2x2048xf32, #tpu.memory_space<vmem>> -> memref<1x2048xf32, #tpu.memory_space<vmem>>
      %dma_start3A_115 = tpu.memref_squeeze %dma_start3A_114 : memref<1x2048xf32, #tpu.memory_space<vmem>> -> memref<2048xf32, #tpu.memory_space<vmem>>
      %dma_start3A_116 = arith.constant 4096 : i32
      %dma_start3A_117 = tpu.memref_slice %arg4[%add3A_36, %dma_start3A_116] : memref<832x16384xf32, #tpu.memory_space<hbm>> -> memref<1x2048xf32, #tpu.memory_space<hbm>>
      %dma_start3A_118 = tpu.memref_squeeze %dma_start3A_117 : memref<1x2048xf32, #tpu.memory_space<hbm>> -> memref<2048xf32, #tpu.memory_space<hbm>>
      %dma_start3A_119 = arith.constant 4096 : i32
      %dma_start3A_120 = tpu.memref_slice %arg4[%add3A_36, %dma_start3A_119] : memref<832x16384xf32, #tpu.memory_space<hbm>> -> memref<1x2048xf32, #tpu.memory_space<hbm>>
      %dma_start3A_121 = tpu.memref_squeeze %dma_start3A_120 : memref<1x2048xf32, #tpu.memory_space<hbm>> -> memref<2048xf32, #tpu.memory_space<hbm>>
      %dma_start3A_122 = arith.constant 0 : i32
      %dma_start3A_123 = tpu.memref_slice %arg7[%dma_start3A_112, %dma_start3A_122] : memref<2x2048xf32, #tpu.memory_space<vmem>> -> memref<1x2048xf32, #tpu.memory_space<vmem>>
      %dma_start3A_124 = tpu.memref_squeeze %dma_start3A_123 : memref<1x2048xf32, #tpu.memory_space<vmem>> -> memref<2048xf32, #tpu.memory_space<vmem>>
      tpu.enqueue_dma source(%dma_start3A_124 : memref<2048xf32, #tpu.memory_space<vmem>>) target(%dma_start3A_121 : memref<2048xf32, #tpu.memory_space<hbm>>) target_semaphore(%arg8 : memref<!tpu.dma_semaphore, #tpu.memory_space<semaphore_mem>>)
      %dma_wait3A_125 = arith.constant 1 : i32
      %dma_wait3A_126 = arith.constant 0 : i32
      %dma_wait3A_127 = tpu.memref_slice %arg7[%dma_wait3A_125, %dma_wait3A_126] : memref<2x2048xf32, #tpu.memory_space<vmem>> -> memref<1x2048xf32, #tpu.memory_space<vmem>>
      %dma_wait3A_128 = tpu.memref_squeeze %dma_wait3A_127 : memref<1x2048xf32, #tpu.memory_space<vmem>> -> memref<2048xf32, #tpu.memory_space<vmem>>
      %dma_wait3A_129 = arith.constant 0 : i32
      %dma_wait3A_130 = tpu.memref_slice %arg4[%add3A_36, %dma_wait3A_129] : memref<832x16384xf32, #tpu.memory_space<hbm>> -> memref<1x2048xf32, #tpu.memory_space<hbm>>
      %dma_wait3A_131 = tpu.memref_squeeze %dma_wait3A_130 : memref<1x2048xf32, #tpu.memory_space<hbm>> -> memref<2048xf32, #tpu.memory_space<hbm>>
      %dma_wait3A_132 = arith.constant 0 : i32
      %dma_wait3A_133 = tpu.memref_slice %arg4[%add3A_36, %dma_wait3A_132] : memref<832x16384xf32, #tpu.memory_space<hbm>> -> memref<1x2048xf32, #tpu.memory_space<hbm>>
      %dma_wait3A_134 = tpu.memref_squeeze %dma_wait3A_133 : memref<1x2048xf32, #tpu.memory_space<hbm>> -> memref<2048xf32, #tpu.memory_space<hbm>>
      %dma_wait3A_135 = arith.constant 0 : i32
      %dma_wait3A_136 = tpu.memref_slice %arg7[%dma_wait3A_125, %dma_wait3A_135] : memref<2x2048xf32, #tpu.memory_space<vmem>> -> memref<1x2048xf32, #tpu.memory_space<vmem>>
      %dma_wait3A_137 = tpu.memref_squeeze %dma_wait3A_136 : memref<1x2048xf32, #tpu.memory_space<vmem>> -> memref<2048xf32, #tpu.memory_space<vmem>>
      tpu.wait_dma2 semaphore(%arg9 : memref<!tpu.dma_semaphore, #tpu.memory_space<semaphore_mem>>) src(%dma_wait3A_137 : memref<2048xf32, #tpu.memory_space<vmem>>) dst(%dma_wait3A_134 : memref<2048xf32, #tpu.memory_space<hbm>>)
      %scan3A_138 = arith.constant 0 : i32
      %scan3A_139 = arith.constant 0 : i32
      %scan3A_140 = arith.constant 16 : i32
      %scan3A_141 = arith.addi %scan3A_139, %scan3A_140 : i32
      %scan3A_142 = arith.constant 1 : i32
      scf.for %scan3A_285 = %scan3A_139 to %scan3A_141 step %scan3A_142  : i32 {
        %mul3A_286 = arith.constant 128 : i32
        %mul3A_287 = arith.muli %scan3A_285, %mul3A_286 : i32
        %add3A_288 = arith.constant 0 : i32
        %add3A_289 = arith.addi %mul3A_287, %add3A_288 : i32
        %add3A_290 = arith.constant 48 : i32
        %add3A_291 = arith.addi %add3A_290, %scan3A_285 : i32
        %get3A = arith.index_cast %add3A_291 : i32 to index
        %get3A_292 = arith.constant 0 : index
        %get3A_293 = tpu.vector_load %arg5[%get3A, %get3A_292] {strides = array<i32>} : memref<128x128xi32, #tpu.memory_space<vmem>>, vector<16xi32>,
        %gather3A = tpu.vector_load_idx %arg6[%get3A_293] : memref<100000xf32, #tpu.memory_space<vmem>>[vector<16xi32>], vector<16xf32>,
        %swap3A = arith.constant 1 : i32
        %swap3A_294 = arith.index_cast %swap3A : i32 to index
        %swap3A_295 = arith.index_cast %add3A_289 : i32 to index
        %swap3A_296 = tpu.vector_load %arg7[%swap3A_294, %swap3A_295] {strides = array<i32>} : memref<2x2048xf32, #tpu.memory_space<vmem>>, vector<16xf32>,
        tpu.vector_store %arg7[%swap3A_294, %swap3A_295], %gather3A {strides = array<i32>} : memref<2x2048xf32, #tpu.memory_space<vmem>>, vector<16xf32>,
        %mul3A_297 = arith.constant 128 : i32
        %mul3A_298 = arith.muli %scan3A_285, %mul3A_297 : i32
        %add3A_299 = arith.constant 16 : i32
        %add3A_300 = arith.addi %mul3A_298, %add3A_299 : i32
        %add3A_301 = arith.constant 48 : i32
        %add3A_302 = arith.addi %add3A_301, %scan3A_285 : i32
        %get3A_303 = arith.index_cast %add3A_302 : i32 to index
        %get3A_304 = arith.constant 16 : index
        %get3A_305 = tpu.vector_load %arg5[%get3A_303, %get3A_304] {strides = array<i32>} : memref<128x128xi32, #tpu.memory_space<vmem>>, vector<16xi32>,
        %gather3A_306 = tpu.vector_load_idx %arg6[%get3A_305] : memref<100000xf32, #tpu.memory_space<vmem>>[vector<16xi32>], vector<16xf32>,
        %swap3A_307 = arith.constant 1 : i32
        %swap3A_308 = arith.index_cast %swap3A_307 : i32 to index
        %swap3A_309 = arith.index_cast %add3A_300 : i32 to index
        %swap3A_310 = tpu.vector_load %arg7[%swap3A_308, %swap3A_309] {strides = array<i32>} : memref<2x2048xf32, #tpu.memory_space<vmem>>, vector<16xf32>,
        tpu.vector_store %arg7[%swap3A_308, %swap3A_309], %gather3A_306 {strides = array<i32>} : memref<2x2048xf32, #tpu.memory_space<vmem>>, vector<16xf32>,
        %mul3A_311 = arith.constant 128 : i32
        %mul3A_312 = arith.muli %scan3A_285, %mul3A_311 : i32
        %add3A_313 = arith.constant 32 : i32
        %add3A_314 = arith.addi %mul3A_312, %add3A_313 : i32
        %add3A_315 = arith.constant 48 : i32
        %add3A_316 = arith.addi %add3A_315, %scan3A_285 : i32
        %get3A_317 = arith.index_cast %add3A_316 : i32 to index
        %get3A_318 = arith.constant 32 : index
        %get3A_319 = tpu.vector_load %arg5[%get3A_317, %get3A_318] {strides = array<i32>} : memref<128x128xi32, #tpu.memory_space<vmem>>, vector<16xi32>,
        %gather3A_320 = tpu.vector_load_idx %arg6[%get3A_319] : memref<100000xf32, #tpu.memory_space<vmem>>[vector<16xi32>], vector<16xf32>,
        %swap3A_321 = arith.constant 1 : i32
        %swap3A_322 = arith.index_cast %swap3A_321 : i32 to index
        %swap3A_323 = arith.index_cast %add3A_314 : i32 to index
        %swap3A_324 = tpu.vector_load %arg7[%swap3A_322, %swap3A_323] {strides = array<i32>} : memref<2x2048xf32, #tpu.memory_space<vmem>>, vector<16xf32>,
        tpu.vector_store %arg7[%swap3A_322, %swap3A_323], %gather3A_320 {strides = array<i32>} : memref<2x2048xf32, #tpu.memory_space<vmem>>, vector<16xf32>,
        %mul3A_325 = arith.constant 128 : i32
        %mul3A_326 = arith.muli %scan3A_285, %mul3A_325 : i32
        %add3A_327 = arith.constant 48 : i32
        %add3A_328 = arith.addi %mul3A_326, %add3A_327 : i32
        %add3A_329 = arith.constant 48 : i32
        %add3A_330 = arith.addi %add3A_329, %scan3A_285 : i32
        %get3A_331 = arith.index_cast %add3A_330 : i32 to index
        %get3A_332 = arith.constant 48 : index
        %get3A_333 = tpu.vector_load %arg5[%get3A_331, %get3A_332] {strides = array<i32>} : memref<128x128xi32, #tpu.memory_space<vmem>>, vector<16xi32>,
        %gather3A_334 = tpu.vector_load_idx %arg6[%get3A_333] : memref<100000xf32, #tpu.memory_space<vmem>>[vector<16xi32>], vector<16xf32>,
        %swap3A_335 = arith.constant 1 : i32
        %swap3A_336 = arith.index_cast %swap3A_335 : i32 to index
        %swap3A_337 = arith.index_cast %add3A_328 : i32 to index
        %swap3A_338 = tpu.vector_load %arg7[%swap3A_336, %swap3A_337] {strides = array<i32>} : memref<2x2048xf32, #tpu.memory_space<vmem>>, vector<16xf32>,
        tpu.vector_store %arg7[%swap3A_336, %swap3A_337], %gather3A_334 {strides = array<i32>} : memref<2x2048xf32, #tpu.memory_space<vmem>>, vector<16xf32>,
        %mul3A_339 = arith.constant 128 : i32
        %mul3A_340 = arith.muli %scan3A_285, %mul3A_339 : i32
        %add3A_341 = arith.constant 64 : i32
        %add3A_342 = arith.addi %mul3A_340, %add3A_341 : i32
        %add3A_343 = arith.constant 48 : i32
        %add3A_344 = arith.addi %add3A_343, %scan3A_285 : i32
        %get3A_345 = arith.index_cast %add3A_344 : i32 to index
        %get3A_346 = arith.constant 64 : index
        %get3A_347 = tpu.vector_load %arg5[%get3A_345, %get3A_346] {strides = array<i32>} : memref<128x128xi32, #tpu.memory_space<vmem>>, vector<16xi32>,
        %gather3A_348 = tpu.vector_load_idx %arg6[%get3A_347] : memref<100000xf32, #tpu.memory_space<vmem>>[vector<16xi32>], vector<16xf32>,
        %swap3A_349 = arith.constant 1 : i32
        %swap3A_350 = arith.index_cast %swap3A_349 : i32 to index
        %swap3A_351 = arith.index_cast %add3A_342 : i32 to index
        %swap3A_352 = tpu.vector_load %arg7[%swap3A_350, %swap3A_351] {strides = array<i32>} : memref<2x2048xf32, #tpu.memory_space<vmem>>, vector<16xf32>,
        tpu.vector_store %arg7[%swap3A_350, %swap3A_351], %gather3A_348 {strides = array<i32>} : memref<2x2048xf32, #tpu.memory_space<vmem>>, vector<16xf32>,
        %mul3A_353 = arith.constant 128 : i32
        %mul3A_354 = arith.muli %scan3A_285, %mul3A_353 : i32
        %add3A_355 = arith.constant 80 : i32
        %add3A_356 = arith.addi %mul3A_354, %add3A_355 : i32
        %add3A_357 = arith.constant 48 : i32
        %add3A_358 = arith.addi %add3A_357, %scan3A_285 : i32
        %get3A_359 = arith.index_cast %add3A_358 : i32 to index
        %get3A_360 = arith.constant 80 : index
        %get3A_361 = tpu.vector_load %arg5[%get3A_359, %get3A_360] {strides = array<i32>} : memref<128x128xi32, #tpu.memory_space<vmem>>, vector<16xi32>,
        %gather3A_362 = tpu.vector_load_idx %arg6[%get3A_361] : memref<100000xf32, #tpu.memory_space<vmem>>[vector<16xi32>], vector<16xf32>,
        %swap3A_363 = arith.constant 1 : i32
        %swap3A_364 = arith.index_cast %swap3A_363 : i32 to index
        %swap3A_365 = arith.index_cast %add3A_356 : i32 to index
        %swap3A_366 = tpu.vector_load %arg7[%swap3A_364, %swap3A_365] {strides = array<i32>} : memref<2x2048xf32, #tpu.memory_space<vmem>>, vector<16xf32>,
        tpu.vector_store %arg7[%swap3A_364, %swap3A_365], %gather3A_362 {strides = array<i32>} : memref<2x2048xf32, #tpu.memory_space<vmem>>, vector<16xf32>,
        %mul3A_367 = arith.constant 128 : i32
        %mul3A_368 = arith.muli %scan3A_285, %mul3A_367 : i32
        %add3A_369 = arith.constant 96 : i32
        %add3A_370 = arith.addi %mul3A_368, %add3A_369 : i32
        %add3A_371 = arith.constant 48 : i32
        %add3A_372 = arith.addi %add3A_371, %scan3A_285 : i32
        %get3A_373 = arith.index_cast %add3A_372 : i32 to index
        %get3A_374 = arith.constant 96 : index
        %get3A_375 = tpu.vector_load %arg5[%get3A_373, %get3A_374] {strides = array<i32>} : memref<128x128xi32, #tpu.memory_space<vmem>>, vector<16xi32>,
        %gather3A_376 = tpu.vector_load_idx %arg6[%get3A_375] : memref<100000xf32, #tpu.memory_space<vmem>>[vector<16xi32>], vector<16xf32>,
        %swap3A_377 = arith.constant 1 : i32
        %swap3A_378 = arith.index_cast %swap3A_377 : i32 to index
        %swap3A_379 = arith.index_cast %add3A_370 : i32 to index
        %swap3A_380 = tpu.vector_load %arg7[%swap3A_378, %swap3A_379] {strides = array<i32>} : memref<2x2048xf32, #tpu.memory_space<vmem>>, vector<16xf32>,
        tpu.vector_store %arg7[%swap3A_378, %swap3A_379], %gather3A_376 {strides = array<i32>} : memref<2x2048xf32, #tpu.memory_space<vmem>>, vector<16xf32>,
        %mul3A_381 = arith.constant 128 : i32
        %mul3A_382 = arith.muli %scan3A_285, %mul3A_381 : i32
        %add3A_383 = arith.constant 112 : i32
        %add3A_384 = arith.addi %mul3A_382, %add3A_383 : i32
        %add3A_385 = arith.constant 48 : i32
        %add3A_386 = arith.addi %add3A_385, %scan3A_285 : i32
        %get3A_387 = arith.index_cast %add3A_386 : i32 to index
        %get3A_388 = arith.constant 112 : index
        %get3A_389 = tpu.vector_load %arg5[%get3A_387, %get3A_388] {strides = array<i32>} : memref<128x128xi32, #tpu.memory_space<vmem>>, vector<16xi32>,
        %gather3A_390 = tpu.vector_load_idx %arg6[%get3A_389] : memref<100000xf32, #tpu.memory_space<vmem>>[vector<16xi32>], vector<16xf32>,
        %swap3A_391 = arith.constant 1 : i32
        %swap3A_392 = arith.index_cast %swap3A_391 : i32 to index
        %swap3A_393 = arith.index_cast %add3A_384 : i32 to index
        %swap3A_394 = tpu.vector_load %arg7[%swap3A_392, %swap3A_393] {strides = array<i32>} : memref<2x2048xf32, #tpu.memory_space<vmem>>, vector<16xf32>,
        tpu.vector_store %arg7[%swap3A_392, %swap3A_393], %gather3A_390 {strides = array<i32>} : memref<2x2048xf32, #tpu.memory_space<vmem>>, vector<16xf32>,
      }
      %scan3A_143 = arith.constant 16 : i32
      %dma_start3A_144 = arith.constant 1 : i32
      %dma_start3A_145 = arith.constant 0 : i32
      %dma_start3A_146 = tpu.memref_slice %arg7[%dma_start3A_144, %dma_start3A_145] : memref<2x2048xf32, #tpu.memory_space<vmem>> -> memref<1x2048xf32, #tpu.memory_space<vmem>>
      %dma_start3A_147 = tpu.memref_squeeze %dma_start3A_146 : memref<1x2048xf32, #tpu.memory_space<vmem>> -> memref<2048xf32, #tpu.memory_space<vmem>>
      %dma_start3A_148 = arith.constant 6144 : i32
      %dma_start3A_149 = tpu.memref_slice %arg4[%add3A_36, %dma_start3A_148] : memref<832x16384xf32, #tpu.memory_space<hbm>> -> memref<1x2048xf32, #tpu.memory_space<hbm>>
      %dma_start3A_150 = tpu.memref_squeeze %dma_start3A_149 : memref<1x2048xf32, #tpu.memory_space<hbm>> -> memref<2048xf32, #tpu.memory_space<hbm>>
      %dma_start3A_151 = arith.constant 6144 : i32
      %dma_start3A_152 = tpu.memref_slice %arg4[%add3A_36, %dma_start3A_151] : memref<832x16384xf32, #tpu.memory_space<hbm>> -> memref<1x2048xf32, #tpu.memory_space<hbm>>
      %dma_start3A_153 = tpu.memref_squeeze %dma_start3A_152 : memref<1x2048xf32, #tpu.memory_space<hbm>> -> memref<2048xf32, #tpu.memory_space<hbm>>
      %dma_start3A_154 = arith.constant 0 : i32
      %dma_start3A_155 = tpu.memref_slice %arg7[%dma_start3A_144, %dma_start3A_154] : memref<2x2048xf32, #tpu.memory_space<vmem>> -> memref<1x2048xf32, #tpu.memory_space<vmem>>
      %dma_start3A_156 = tpu.memref_squeeze %dma_start3A_155 : memref<1x2048xf32, #tpu.memory_space<vmem>> -> memref<2048xf32, #tpu.memory_space<vmem>>
      tpu.enqueue_dma source(%dma_start3A_156 : memref<2048xf32, #tpu.memory_space<vmem>>) target(%dma_start3A_153 : memref<2048xf32, #tpu.memory_space<hbm>>) target_semaphore(%arg9 : memref<!tpu.dma_semaphore, #tpu.memory_space<semaphore_mem>>)
      %dma_wait3A_157 = arith.constant 0 : i32
      %dma_wait3A_158 = arith.constant 0 : i32
      %dma_wait3A_159 = tpu.memref_slice %arg7[%dma_wait3A_157, %dma_wait3A_158] : memref<2x2048xf32, #tpu.memory_space<vmem>> -> memref<1x2048xf32, #tpu.memory_space<vmem>>
      %dma_wait3A_160 = tpu.memref_squeeze %dma_wait3A_159 : memref<1x2048xf32, #tpu.memory_space<vmem>> -> memref<2048xf32, #tpu.memory_space<vmem>>
      %dma_wait3A_161 = arith.constant 0 : i32
      %dma_wait3A_162 = tpu.memref_slice %arg4[%add3A_36, %dma_wait3A_161] : memref<832x16384xf32, #tpu.memory_space<hbm>> -> memref<1x2048xf32, #tpu.memory_space<hbm>>
      %dma_wait3A_163 = tpu.memref_squeeze %dma_wait3A_162 : memref<1x2048xf32, #tpu.memory_space<hbm>> -> memref<2048xf32, #tpu.memory_space<hbm>>
      %dma_wait3A_164 = arith.constant 0 : i32
      %dma_wait3A_165 = tpu.memref_slice %arg4[%add3A_36, %dma_wait3A_164] : memref<832x16384xf32, #tpu.memory_space<hbm>> -> memref<1x2048xf32, #tpu.memory_space<hbm>>
      %dma_wait3A_166 = tpu.memref_squeeze %dma_wait3A_165 : memref<1x2048xf32, #tpu.memory_space<hbm>> -> memref<2048xf32, #tpu.memory_space<hbm>>
      %dma_wait3A_167 = arith.constant 0 : i32
      %dma_wait3A_168 = tpu.memref_slice %arg7[%dma_wait3A_157, %dma_wait3A_167] : memref<2x2048xf32, #tpu.memory_space<vmem>> -> memref<1x2048xf32, #tpu.memory_space<vmem>>
      %dma_wait3A_169 = tpu.memref_squeeze %dma_wait3A_168 : memref<1x2048xf32, #tpu.memory_space<vmem>> -> memref<2048xf32, #tpu.memory_space<vmem>>
      tpu.wait_dma2 semaphore(%arg8 : memref<!tpu.dma_semaphore, #tpu.memory_space<semaphore_mem>>) src(%dma_wait3A_169 : memref<2048xf32, #tpu.memory_space<vmem>>) dst(%dma_wait3A_166 : memref<2048xf32, #tpu.memory_space<hbm>>)
      %scan3A_170 = arith.constant 0 : i32
      %scan3A_171 = arith.constant 0 : i32
      %scan3A_172 = arith.constant 16 : i32
      %scan3A_173 = arith.addi %scan3A_171, %scan3A_172 : i32
      %scan3A_174 = arith.constant 1 : i32
      scf.for %scan3A_285 = %scan3A_171 to %scan3A_173 step %scan3A_174  : i32 {
        %mul3A_286 = arith.constant 128 : i32
        %mul3A_287 = arith.muli %scan3A_285, %mul3A_286 : i32
        %add3A_288 = arith.constant 0 : i32
        %add3A_289 = arith.addi %mul3A_287, %add3A_288 : i32
        %add3A_290 = arith.constant 64 : i32
        %add3A_291 = arith.addi %add3A_290, %scan3A_285 : i32
        %get3A = arith.index_cast %add3A_291 : i32 to index
        %get3A_292 = arith.constant 0 : index
        %get3A_293 = tpu.vector_load %arg5[%get3A, %get3A_292] {strides = array<i32>} : memref<128x128xi32, #tpu.memory_space<vmem>>, vector<16xi32>,
        %gather3A = tpu.vector_load_idx %arg6[%get3A_293] : memref<100000xf32, #tpu.memory_space<vmem>>[vector<16xi32>], vector<16xf32>,
        %swap3A = arith.constant 0 : i32
        %swap3A_294 = arith.index_cast %swap3A : i32 to index
        %swap3A_295 = arith.index_cast %add3A_289 : i32 to index
        %swap3A_296 = tpu.vector_load %arg7[%swap3A_294, %swap3A_295] {strides = array<i32>} : memref<2x2048xf32, #tpu.memory_space<vmem>>, vector<16xf32>,
        tpu.vector_store %arg7[%swap3A_294, %swap3A_295], %gather3A {strides = array<i32>} : memref<2x2048xf32, #tpu.memory_space<vmem>>, vector<16xf32>,
        %mul3A_297 = arith.constant 128 : i32
        %mul3A_298 = arith.muli %scan3A_285, %mul3A_297 : i32
        %add3A_299 = arith.constant 16 : i32
        %add3A_300 = arith.addi %mul3A_298, %add3A_299 : i32
        %add3A_301 = arith.constant 64 : i32
        %add3A_302 = arith.addi %add3A_301, %scan3A_285 : i32
        %get3A_303 = arith.index_cast %add3A_302 : i32 to index
        %get3A_304 = arith.constant 16 : index
        %get3A_305 = tpu.vector_load %arg5[%get3A_303, %get3A_304] {strides = array<i32>} : memref<128x128xi32, #tpu.memory_space<vmem>>, vector<16xi32>,
        %gather3A_306 = tpu.vector_load_idx %arg6[%get3A_305] : memref<100000xf32, #tpu.memory_space<vmem>>[vector<16xi32>], vector<16xf32>,
        %swap3A_307 = arith.constant 0 : i32
        %swap3A_308 = arith.index_cast %swap3A_307 : i32 to index
        %swap3A_309 = arith.index_cast %add3A_300 : i32 to index
        %swap3A_310 = tpu.vector_load %arg7[%swap3A_308, %swap3A_309] {strides = array<i32>} : memref<2x2048xf32, #tpu.memory_space<vmem>>, vector<16xf32>,
        tpu.vector_store %arg7[%swap3A_308, %swap3A_309], %gather3A_306 {strides = array<i32>} : memref<2x2048xf32, #tpu.memory_space<vmem>>, vector<16xf32>,
        %mul3A_311 = arith.constant 128 : i32
        %mul3A_312 = arith.muli %scan3A_285, %mul3A_311 : i32
        %add3A_313 = arith.constant 32 : i32
        %add3A_314 = arith.addi %mul3A_312, %add3A_313 : i32
        %add3A_315 = arith.constant 64 : i32
        %add3A_316 = arith.addi %add3A_315, %scan3A_285 : i32
        %get3A_317 = arith.index_cast %add3A_316 : i32 to index
        %get3A_318 = arith.constant 32 : index
        %get3A_319 = tpu.vector_load %arg5[%get3A_317, %get3A_318] {strides = array<i32>} : memref<128x128xi32, #tpu.memory_space<vmem>>, vector<16xi32>,
        %gather3A_320 = tpu.vector_load_idx %arg6[%get3A_319] : memref<100000xf32, #tpu.memory_space<vmem>>[vector<16xi32>], vector<16xf32>,
        %swap3A_321 = arith.constant 0 : i32
        %swap3A_322 = arith.index_cast %swap3A_321 : i32 to index
        %swap3A_323 = arith.index_cast %add3A_314 : i32 to index
        %swap3A_324 = tpu.vector_load %arg7[%swap3A_322, %swap3A_323] {strides = array<i32>} : memref<2x2048xf32, #tpu.memory_space<vmem>>, vector<16xf32>,
        tpu.vector_store %arg7[%swap3A_322, %swap3A_323], %gather3A_320 {strides = array<i32>} : memref<2x2048xf32, #tpu.memory_space<vmem>>, vector<16xf32>,
        %mul3A_325 = arith.constant 128 : i32
        %mul3A_326 = arith.muli %scan3A_285, %mul3A_325 : i32
        %add3A_327 = arith.constant 48 : i32
        %add3A_328 = arith.addi %mul3A_326, %add3A_327 : i32
        %add3A_329 = arith.constant 64 : i32
        %add3A_330 = arith.addi %add3A_329, %scan3A_285 : i32
        %get3A_331 = arith.index_cast %add3A_330 : i32 to index
        %get3A_332 = arith.constant 48 : index
        %get3A_333 = tpu.vector_load %arg5[%get3A_331, %get3A_332] {strides = array<i32>} : memref<128x128xi32, #tpu.memory_space<vmem>>, vector<16xi32>,
        %gather3A_334 = tpu.vector_load_idx %arg6[%get3A_333] : memref<100000xf32, #tpu.memory_space<vmem>>[vector<16xi32>], vector<16xf32>,
        %swap3A_335 = arith.constant 0 : i32
        %swap3A_336 = arith.index_cast %swap3A_335 : i32 to index
        %swap3A_337 = arith.index_cast %add3A_328 : i32 to index
        %swap3A_338 = tpu.vector_load %arg7[%swap3A_336, %swap3A_337] {strides = array<i32>} : memref<2x2048xf32, #tpu.memory_space<vmem>>, vector<16xf32>,
        tpu.vector_store %arg7[%swap3A_336, %swap3A_337], %gather3A_334 {strides = array<i32>} : memref<2x2048xf32, #tpu.memory_space<vmem>>, vector<16xf32>,
        %mul3A_339 = arith.constant 128 : i32
        %mul3A_340 = arith.muli %scan3A_285, %mul3A_339 : i32
        %add3A_341 = arith.constant 64 : i32
        %add3A_342 = arith.addi %mul3A_340, %add3A_341 : i32
        %add3A_343 = arith.constant 64 : i32
        %add3A_344 = arith.addi %add3A_343, %scan3A_285 : i32
        %get3A_345 = arith.index_cast %add3A_344 : i32 to index
        %get3A_346 = arith.constant 64 : index
        %get3A_347 = tpu.vector_load %arg5[%get3A_345, %get3A_346] {strides = array<i32>} : memref<128x128xi32, #tpu.memory_space<vmem>>, vector<16xi32>,
        %gather3A_348 = tpu.vector_load_idx %arg6[%get3A_347] : memref<100000xf32, #tpu.memory_space<vmem>>[vector<16xi32>], vector<16xf32>,
        %swap3A_349 = arith.constant 0 : i32
        %swap3A_350 = arith.index_cast %swap3A_349 : i32 to index
        %swap3A_351 = arith.index_cast %add3A_342 : i32 to index
        %swap3A_352 = tpu.vector_load %arg7[%swap3A_350, %swap3A_351] {strides = array<i32>} : memref<2x2048xf32, #tpu.memory_space<vmem>>, vector<16xf32>,
        tpu.vector_store %arg7[%swap3A_350, %swap3A_351], %gather3A_348 {strides = array<i32>} : memref<2x2048xf32, #tpu.memory_space<vmem>>, vector<16xf32>,
        %mul3A_353 = arith.constant 128 : i32
        %mul3A_354 = arith.muli %scan3A_285, %mul3A_353 : i32
        %add3A_355 = arith.constant 80 : i32
        %add3A_356 = arith.addi %mul3A_354, %add3A_355 : i32
        %add3A_357 = arith.constant 64 : i32
        %add3A_358 = arith.addi %add3A_357, %scan3A_285 : i32
        %get3A_359 = arith.index_cast %add3A_358 : i32 to index
        %get3A_360 = arith.constant 80 : index
        %get3A_361 = tpu.vector_load %arg5[%get3A_359, %get3A_360] {strides = array<i32>} : memref<128x128xi32, #tpu.memory_space<vmem>>, vector<16xi32>,
        %gather3A_362 = tpu.vector_load_idx %arg6[%get3A_361] : memref<100000xf32, #tpu.memory_space<vmem>>[vector<16xi32>], vector<16xf32>,
        %swap3A_363 = arith.constant 0 : i32
        %swap3A_364 = arith.index_cast %swap3A_363 : i32 to index
        %swap3A_365 = arith.index_cast %add3A_356 : i32 to index
        %swap3A_366 = tpu.vector_load %arg7[%swap3A_364, %swap3A_365] {strides = array<i32>} : memref<2x2048xf32, #tpu.memory_space<vmem>>, vector<16xf32>,
        tpu.vector_store %arg7[%swap3A_364, %swap3A_365], %gather3A_362 {strides = array<i32>} : memref<2x2048xf32, #tpu.memory_space<vmem>>, vector<16xf32>,
        %mul3A_367 = arith.constant 128 : i32
        %mul3A_368 = arith.muli %scan3A_285, %mul3A_367 : i32
        %add3A_369 = arith.constant 96 : i32
        %add3A_370 = arith.addi %mul3A_368, %add3A_369 : i32
        %add3A_371 = arith.constant 64 : i32
        %add3A_372 = arith.addi %add3A_371, %scan3A_285 : i32
        %get3A_373 = arith.index_cast %add3A_372 : i32 to index
        %get3A_374 = arith.constant 96 : index
        %get3A_375 = tpu.vector_load %arg5[%get3A_373, %get3A_374] {strides = array<i32>} : memref<128x128xi32, #tpu.memory_space<vmem>>, vector<16xi32>,
        %gather3A_376 = tpu.vector_load_idx %arg6[%get3A_375] : memref<100000xf32, #tpu.memory_space<vmem>>[vector<16xi32>], vector<16xf32>,
        %swap3A_377 = arith.constant 0 : i32
        %swap3A_378 = arith.index_cast %swap3A_377 : i32 to index
        %swap3A_379 = arith.index_cast %add3A_370 : i32 to index
        %swap3A_380 = tpu.vector_load %arg7[%swap3A_378, %swap3A_379] {strides = array<i32>} : memref<2x2048xf32, #tpu.memory_space<vmem>>, vector<16xf32>,
        tpu.vector_store %arg7[%swap3A_378, %swap3A_379], %gather3A_376 {strides = array<i32>} : memref<2x2048xf32, #tpu.memory_space<vmem>>, vector<16xf32>,
        %mul3A_381 = arith.constant 128 : i32
        %mul3A_382 = arith.muli %scan3A_285, %mul3A_381 : i32
        %add3A_383 = arith.constant 112 : i32
        %add3A_384 = arith.addi %mul3A_382, %add3A_383 : i32
        %add3A_385 = arith.constant 64 : i32
        %add3A_386 = arith.addi %add3A_385, %scan3A_285 : i32
        %get3A_387 = arith.index_cast %add3A_386 : i32 to index
        %get3A_388 = arith.constant 112 : index
        %get3A_389 = tpu.vector_load %arg5[%get3A_387, %get3A_388] {strides = array<i32>} : memref<128x128xi32, #tpu.memory_space<vmem>>, vector<16xi32>,
        %gather3A_390 = tpu.vector_load_idx %arg6[%get3A_389] : memref<100000xf32, #tpu.memory_space<vmem>>[vector<16xi32>], vector<16xf32>,
        %swap3A_391 = arith.constant 0 : i32
        %swap3A_392 = arith.index_cast %swap3A_391 : i32 to index
        %swap3A_393 = arith.index_cast %add3A_384 : i32 to index
        %swap3A_394 = tpu.vector_load %arg7[%swap3A_392, %swap3A_393] {strides = array<i32>} : memref<2x2048xf32, #tpu.memory_space<vmem>>, vector<16xf32>,
        tpu.vector_store %arg7[%swap3A_392, %swap3A_393], %gather3A_390 {strides = array<i32>} : memref<2x2048xf32, #tpu.memory_space<vmem>>, vector<16xf32>,
      }
      %scan3A_175 = arith.constant 16 : i32
      %dma_start3A_176 = arith.constant 0 : i32
      %dma_start3A_177 = arith.constant 0 : i32
      %dma_start3A_178 = tpu.memref_slice %arg7[%dma_start3A_176, %dma_start3A_177] : memref<2x2048xf32, #tpu.memory_space<vmem>> -> memref<1x2048xf32, #tpu.memory_space<vmem>>
      %dma_start3A_179 = tpu.memref_squeeze %dma_start3A_178 : memref<1x2048xf32, #tpu.memory_space<vmem>> -> memref<2048xf32, #tpu.memory_space<vmem>>
      %dma_start3A_180 = arith.constant 8192 : i32
      %dma_start3A_181 = tpu.memref_slice %arg4[%add3A_36, %dma_start3A_180] : memref<832x16384xf32, #tpu.memory_space<hbm>> -> memref<1x2048xf32, #tpu.memory_space<hbm>>
      %dma_start3A_182 = tpu.memref_squeeze %dma_start3A_181 : memref<1x2048xf32, #tpu.memory_space<hbm>> -> memref<2048xf32, #tpu.memory_space<hbm>>
      %dma_start3A_183 = arith.constant 8192 : i32
      %dma_start3A_184 = tpu.memref_slice %arg4[%add3A_36, %dma_start3A_183] : memref<832x16384xf32, #tpu.memory_space<hbm>> -> memref<1x2048xf32, #tpu.memory_space<hbm>>
      %dma_start3A_185 = tpu.memref_squeeze %dma_start3A_184 : memref<1x2048xf32, #tpu.memory_space<hbm>> -> memref<2048xf32, #tpu.memory_space<hbm>>
      %dma_start3A_186 = arith.constant 0 : i32
      %dma_start3A_187 = tpu.memref_slice %arg7[%dma_start3A_176, %dma_start3A_186] : memref<2x2048xf32, #tpu.memory_space<vmem>> -> memref<1x2048xf32, #tpu.memory_space<vmem>>
      %dma_start3A_188 = tpu.memref_squeeze %dma_start3A_187 : memref<1x2048xf32, #tpu.memory_space<vmem>> -> memref<2048xf32, #tpu.memory_space<vmem>>
      tpu.enqueue_dma source(%dma_start3A_188 : memref<2048xf32, #tpu.memory_space<vmem>>) target(%dma_start3A_185 : memref<2048xf32, #tpu.memory_space<hbm>>) target_semaphore(%arg8 : memref<!tpu.dma_semaphore, #tpu.memory_space<semaphore_mem>>)
      %dma_wait3A_189 = arith.constant 1 : i32
      %dma_wait3A_190 = arith.constant 0 : i32
      %dma_wait3A_191 = tpu.memref_slice %arg7[%dma_wait3A_189, %dma_wait3A_190] : memref<2x2048xf32, #tpu.memory_space<vmem>> -> memref<1x2048xf32, #tpu.memory_space<vmem>>
      %dma_wait3A_192 = tpu.memref_squeeze %dma_wait3A_191 : memref<1x2048xf32, #tpu.memory_space<vmem>> -> memref<2048xf32, #tpu.memory_space<vmem>>
      %dma_wait3A_193 = arith.constant 0 : i32
      %dma_wait3A_194 = tpu.memref_slice %arg4[%add3A_36, %dma_wait3A_193] : memref<832x16384xf32, #tpu.memory_space<hbm>> -> memref<1x2048xf32, #tpu.memory_space<hbm>>
      %dma_wait3A_195 = tpu.memref_squeeze %dma_wait3A_194 : memref<1x2048xf32, #tpu.memory_space<hbm>> -> memref<2048xf32, #tpu.memory_space<hbm>>
      %dma_wait3A_196 = arith.constant 0 : i32
      %dma_wait3A_197 = tpu.memref_slice %arg4[%add3A_36, %dma_wait3A_196] : memref<832x16384xf32, #tpu.memory_space<hbm>> -> memref<1x2048xf32, #tpu.memory_space<hbm>>
      %dma_wait3A_198 = tpu.memref_squeeze %dma_wait3A_197 : memref<1x2048xf32, #tpu.memory_space<hbm>> -> memref<2048xf32, #tpu.memory_space<hbm>>
      %dma_wait3A_199 = arith.constant 0 : i32
      %dma_wait3A_200 = tpu.memref_slice %arg7[%dma_wait3A_189, %dma_wait3A_199] : memref<2x2048xf32, #tpu.memory_space<vmem>> -> memref<1x2048xf32, #tpu.memory_space<vmem>>
      %dma_wait3A_201 = tpu.memref_squeeze %dma_wait3A_200 : memref<1x2048xf32, #tpu.memory_space<vmem>> -> memref<2048xf32, #tpu.memory_space<vmem>>
      tpu.wait_dma2 semaphore(%arg9 : memref<!tpu.dma_semaphore, #tpu.memory_space<semaphore_mem>>) src(%dma_wait3A_201 : memref<2048xf32, #tpu.memory_space<vmem>>) dst(%dma_wait3A_198 : memref<2048xf32, #tpu.memory_space<hbm>>)
      %scan3A_202 = arith.constant 0 : i32
      %scan3A_203 = arith.constant 0 : i32
      %scan3A_204 = arith.constant 16 : i32
      %scan3A_205 = arith.addi %scan3A_203, %scan3A_204 : i32
      %scan3A_206 = arith.constant 1 : i32
      scf.for %scan3A_285 = %scan3A_203 to %scan3A_205 step %scan3A_206  : i32 {
        %mul3A_286 = arith.constant 128 : i32
        %mul3A_287 = arith.muli %scan3A_285, %mul3A_286 : i32
        %add3A_288 = arith.constant 0 : i32
        %add3A_289 = arith.addi %mul3A_287, %add3A_288 : i32
        %add3A_290 = arith.constant 80 : i32
        %add3A_291 = arith.addi %add3A_290, %scan3A_285 : i32
        %get3A = arith.index_cast %add3A_291 : i32 to index
        %get3A_292 = arith.constant 0 : index
        %get3A_293 = tpu.vector_load %arg5[%get3A, %get3A_292] {strides = array<i32>} : memref<128x128xi32, #tpu.memory_space<vmem>>, vector<16xi32>,
        %gather3A = tpu.vector_load_idx %arg6[%get3A_293] : memref<100000xf32, #tpu.memory_space<vmem>>[vector<16xi32>], vector<16xf32>,
        %swap3A = arith.constant 1 : i32
        %swap3A_294 = arith.index_cast %swap3A : i32 to index
        %swap3A_295 = arith.index_cast %add3A_289 : i32 to index
        %swap3A_296 = tpu.vector_load %arg7[%swap3A_294, %swap3A_295] {strides = array<i32>} : memref<2x2048xf32, #tpu.memory_space<vmem>>, vector<16xf32>,
        tpu.vector_store %arg7[%swap3A_294, %swap3A_295], %gather3A {strides = array<i32>} : memref<2x2048xf32, #tpu.memory_space<vmem>>, vector<16xf32>,
        %mul3A_297 = arith.constant 128 : i32
        %mul3A_298 = arith.muli %scan3A_285, %mul3A_297 : i32
        %add3A_299 = arith.constant 16 : i32
        %add3A_300 = arith.addi %mul3A_298, %add3A_299 : i32
        %add3A_301 = arith.constant 80 : i32
        %add3A_302 = arith.addi %add3A_301, %scan3A_285 : i32
        %get3A_303 = arith.index_cast %add3A_302 : i32 to index
        %get3A_304 = arith.constant 16 : index
        %get3A_305 = tpu.vector_load %arg5[%get3A_303, %get3A_304] {strides = array<i32>} : memref<128x128xi32, #tpu.memory_space<vmem>>, vector<16xi32>,
        %gather3A_306 = tpu.vector_load_idx %arg6[%get3A_305] : memref<100000xf32, #tpu.memory_space<vmem>>[vector<16xi32>], vector<16xf32>,
        %swap3A_307 = arith.constant 1 : i32
        %swap3A_308 = arith.index_cast %swap3A_307 : i32 to index
        %swap3A_309 = arith.index_cast %add3A_300 : i32 to index
        %swap3A_310 = tpu.vector_load %arg7[%swap3A_308, %swap3A_309] {strides = array<i32>} : memref<2x2048xf32, #tpu.memory_space<vmem>>, vector<16xf32>,
        tpu.vector_store %arg7[%swap3A_308, %swap3A_309], %gather3A_306 {strides = array<i32>} : memref<2x2048xf32, #tpu.memory_space<vmem>>, vector<16xf32>,
        %mul3A_311 = arith.constant 128 : i32
        %mul3A_312 = arith.muli %scan3A_285, %mul3A_311 : i32
        %add3A_313 = arith.constant 32 : i32
        %add3A_314 = arith.addi %mul3A_312, %add3A_313 : i32
        %add3A_315 = arith.constant 80 : i32
        %add3A_316 = arith.addi %add3A_315, %scan3A_285 : i32
        %get3A_317 = arith.index_cast %add3A_316 : i32 to index
        %get3A_318 = arith.constant 32 : index
        %get3A_319 = tpu.vector_load %arg5[%get3A_317, %get3A_318] {strides = array<i32>} : memref<128x128xi32, #tpu.memory_space<vmem>>, vector<16xi32>,
        %gather3A_320 = tpu.vector_load_idx %arg6[%get3A_319] : memref<100000xf32, #tpu.memory_space<vmem>>[vector<16xi32>], vector<16xf32>,
        %swap3A_321 = arith.constant 1 : i32
        %swap3A_322 = arith.index_cast %swap3A_321 : i32 to index
        %swap3A_323 = arith.index_cast %add3A_314 : i32 to index
        %swap3A_324 = tpu.vector_load %arg7[%swap3A_322, %swap3A_323] {strides = array<i32>} : memref<2x2048xf32, #tpu.memory_space<vmem>>, vector<16xf32>,
        tpu.vector_store %arg7[%swap3A_322, %swap3A_323], %gather3A_320 {strides = array<i32>} : memref<2x2048xf32, #tpu.memory_space<vmem>>, vector<16xf32>,
        %mul3A_325 = arith.constant 128 : i32
        %mul3A_326 = arith.muli %scan3A_285, %mul3A_325 : i32
        %add3A_327 = arith.constant 48 : i32
        %add3A_328 = arith.addi %mul3A_326, %add3A_327 : i32
        %add3A_329 = arith.constant 80 : i32
        %add3A_330 = arith.addi %add3A_329, %scan3A_285 : i32
        %get3A_331 = arith.index_cast %add3A_330 : i32 to index
        %get3A_332 = arith.constant 48 : index
        %get3A_333 = tpu.vector_load %arg5[%get3A_331, %get3A_332] {strides = array<i32>} : memref<128x128xi32, #tpu.memory_space<vmem>>, vector<16xi32>,
        %gather3A_334 = tpu.vector_load_idx %arg6[%get3A_333] : memref<100000xf32, #tpu.memory_space<vmem>>[vector<16xi32>], vector<16xf32>,
        %swap3A_335 = arith.constant 1 : i32
        %swap3A_336 = arith.index_cast %swap3A_335 : i32 to index
        %swap3A_337 = arith.index_cast %add3A_328 : i32 to index
        %swap3A_338 = tpu.vector_load %arg7[%swap3A_336, %swap3A_337] {strides = array<i32>} : memref<2x2048xf32, #tpu.memory_space<vmem>>, vector<16xf32>,
        tpu.vector_store %arg7[%swap3A_336, %swap3A_337], %gather3A_334 {strides = array<i32>} : memref<2x2048xf32, #tpu.memory_space<vmem>>, vector<16xf32>,
        %mul3A_339 = arith.constant 128 : i32
        %mul3A_340 = arith.muli %scan3A_285, %mul3A_339 : i32
        %add3A_341 = arith.constant 64 : i32
        %add3A_342 = arith.addi %mul3A_340, %add3A_341 : i32
        %add3A_343 = arith.constant 80 : i32
        %add3A_344 = arith.addi %add3A_343, %scan3A_285 : i32
        %get3A_345 = arith.index_cast %add3A_344 : i32 to index
        %get3A_346 = arith.constant 64 : index
        %get3A_347 = tpu.vector_load %arg5[%get3A_345, %get3A_346] {strides = array<i32>} : memref<128x128xi32, #tpu.memory_space<vmem>>, vector<16xi32>,
        %gather3A_348 = tpu.vector_load_idx %arg6[%get3A_347] : memref<100000xf32, #tpu.memory_space<vmem>>[vector<16xi32>], vector<16xf32>,
        %swap3A_349 = arith.constant 1 : i32
        %swap3A_350 = arith.index_cast %swap3A_349 : i32 to index
        %swap3A_351 = arith.index_cast %add3A_342 : i32 to index
        %swap3A_352 = tpu.vector_load %arg7[%swap3A_350, %swap3A_351] {strides = array<i32>} : memref<2x2048xf32, #tpu.memory_space<vmem>>, vector<16xf32>,
        tpu.vector_store %arg7[%swap3A_350, %swap3A_351], %gather3A_348 {strides = array<i32>} : memref<2x2048xf32, #tpu.memory_space<vmem>>, vector<16xf32>,
        %mul3A_353 = arith.constant 128 : i32
        %mul3A_354 = arith.muli %scan3A_285, %mul3A_353 : i32
        %add3A_355 = arith.constant 80 : i32
        %add3A_356 = arith.addi %mul3A_354, %add3A_355 : i32
        %add3A_357 = arith.constant 80 : i32
        %add3A_358 = arith.addi %add3A_357, %scan3A_285 : i32
        %get3A_359 = arith.index_cast %add3A_358 : i32 to index
        %get3A_360 = arith.constant 80 : index
        %get3A_361 = tpu.vector_load %arg5[%get3A_359, %get3A_360] {strides = array<i32>} : memref<128x128xi32, #tpu.memory_space<vmem>>, vector<16xi32>,
        %gather3A_362 = tpu.vector_load_idx %arg6[%get3A_361] : memref<100000xf32, #tpu.memory_space<vmem>>[vector<16xi32>], vector<16xf32>,
        %swap3A_363 = arith.constant 1 : i32
        %swap3A_364 = arith.index_cast %swap3A_363 : i32 to index
        %swap3A_365 = arith.index_cast %add3A_356 : i32 to index
        %swap3A_366 = tpu.vector_load %arg7[%swap3A_364, %swap3A_365] {strides = array<i32>} : memref<2x2048xf32, #tpu.memory_space<vmem>>, vector<16xf32>,
        tpu.vector_store %arg7[%swap3A_364, %swap3A_365], %gather3A_362 {strides = array<i32>} : memref<2x2048xf32, #tpu.memory_space<vmem>>, vector<16xf32>,
        %mul3A_367 = arith.constant 128 : i32
        %mul3A_368 = arith.muli %scan3A_285, %mul3A_367 : i32
        %add3A_369 = arith.constant 96 : i32
        %add3A_370 = arith.addi %mul3A_368, %add3A_369 : i32
        %add3A_371 = arith.constant 80 : i32
        %add3A_372 = arith.addi %add3A_371, %scan3A_285 : i32
        %get3A_373 = arith.index_cast %add3A_372 : i32 to index
        %get3A_374 = arith.constant 96 : index
        %get3A_375 = tpu.vector_load %arg5[%get3A_373, %get3A_374] {strides = array<i32>} : memref<128x128xi32, #tpu.memory_space<vmem>>, vector<16xi32>,
        %gather3A_376 = tpu.vector_load_idx %arg6[%get3A_375] : memref<100000xf32, #tpu.memory_space<vmem>>[vector<16xi32>], vector<16xf32>,
        %swap3A_377 = arith.constant 1 : i32
        %swap3A_378 = arith.index_cast %swap3A_377 : i32 to index
        %swap3A_379 = arith.index_cast %add3A_370 : i32 to index
        %swap3A_380 = tpu.vector_load %arg7[%swap3A_378, %swap3A_379] {strides = array<i32>} : memref<2x2048xf32, #tpu.memory_space<vmem>>, vector<16xf32>,
        tpu.vector_store %arg7[%swap3A_378, %swap3A_379], %gather3A_376 {strides = array<i32>} : memref<2x2048xf32, #tpu.memory_space<vmem>>, vector<16xf32>,
        %mul3A_381 = arith.constant 128 : i32
        %mul3A_382 = arith.muli %scan3A_285, %mul3A_381 : i32
        %add3A_383 = arith.constant 112 : i32
        %add3A_384 = arith.addi %mul3A_382, %add3A_383 : i32
        %add3A_385 = arith.constant 80 : i32
        %add3A_386 = arith.addi %add3A_385, %scan3A_285 : i32
        %get3A_387 = arith.index_cast %add3A_386 : i32 to index
        %get3A_388 = arith.constant 112 : index
        %get3A_389 = tpu.vector_load %arg5[%get3A_387, %get3A_388] {strides = array<i32>} : memref<128x128xi32, #tpu.memory_space<vmem>>, vector<16xi32>,
        %gather3A_390 = tpu.vector_load_idx %arg6[%get3A_389] : memref<100000xf32, #tpu.memory_space<vmem>>[vector<16xi32>], vector<16xf32>,
        %swap3A_391 = arith.constant 1 : i32
        %swap3A_392 = arith.index_cast %swap3A_391 : i32 to index
        %swap3A_393 = arith.index_cast %add3A_384 : i32 to index
        %swap3A_394 = tpu.vector_load %arg7[%swap3A_392, %swap3A_393] {strides = array<i32>} : memref<2x2048xf32, #tpu.memory_space<vmem>>, vector<16xf32>,
        tpu.vector_store %arg7[%swap3A_392, %swap3A_393], %gather3A_390 {strides = array<i32>} : memref<2x2048xf32, #tpu.memory_space<vmem>>, vector<16xf32>,
      }
      %scan3A_207 = arith.constant 16 : i32
      %dma_start3A_208 = arith.constant 1 : i32
      %dma_start3A_209 = arith.constant 0 : i32
      %dma_start3A_210 = tpu.memref_slice %arg7[%dma_start3A_208, %dma_start3A_209] : memref<2x2048xf32, #tpu.memory_space<vmem>> -> memref<1x2048xf32, #tpu.memory_space<vmem>>
      %dma_start3A_211 = tpu.memref_squeeze %dma_start3A_210 : memref<1x2048xf32, #tpu.memory_space<vmem>> -> memref<2048xf32, #tpu.memory_space<vmem>>
      %dma_start3A_212 = arith.constant 10240 : i32
      %dma_start3A_213 = tpu.memref_slice %arg4[%add3A_36, %dma_start3A_212] : memref<832x16384xf32, #tpu.memory_space<hbm>> -> memref<1x2048xf32, #tpu.memory_space<hbm>>
      %dma_start3A_214 = tpu.memref_squeeze %dma_start3A_213 : memref<1x2048xf32, #tpu.memory_space<hbm>> -> memref<2048xf32, #tpu.memory_space<hbm>>
      %dma_start3A_215 = arith.constant 10240 : i32
      %dma_start3A_216 = tpu.memref_slice %arg4[%add3A_36, %dma_start3A_215] : memref<832x16384xf32, #tpu.memory_space<hbm>> -> memref<1x2048xf32, #tpu.memory_space<hbm>>
      %dma_start3A_217 = tpu.memref_squeeze %dma_start3A_216 : memref<1x2048xf32, #tpu.memory_space<hbm>> -> memref<2048xf32, #tpu.memory_space<hbm>>
      %dma_start3A_218 = arith.constant 0 : i32
      %dma_start3A_219 = tpu.memref_slice %arg7[%dma_start3A_208, %dma_start3A_218] : memref<2x2048xf32, #tpu.memory_space<vmem>> -> memref<1x2048xf32, #tpu.memory_space<vmem>>
      %dma_start3A_220 = tpu.memref_squeeze %dma_start3A_219 : memref<1x2048xf32, #tpu.memory_space<vmem>> -> memref<2048xf32, #tpu.memory_space<vmem>>
      tpu.enqueue_dma source(%dma_start3A_220 : memref<2048xf32, #tpu.memory_space<vmem>>) target(%dma_start3A_217 : memref<2048xf32, #tpu.memory_space<hbm>>) target_semaphore(%arg9 : memref<!tpu.dma_semaphore, #tpu.memory_space<semaphore_mem>>)
      %dma_wait3A_221 = arith.constant 0 : i32
      %dma_wait3A_222 = arith.constant 0 : i32
      %dma_wait3A_223 = tpu.memref_slice %arg7[%dma_wait3A_221, %dma_wait3A_222] : memref<2x2048xf32, #tpu.memory_space<vmem>> -> memref<1x2048xf32, #tpu.memory_space<vmem>>
      %dma_wait3A_224 = tpu.memref_squeeze %dma_wait3A_223 : memref<1x2048xf32, #tpu.memory_space<vmem>> -> memref<2048xf32, #tpu.memory_space<vmem>>
      %dma_wait3A_225 = arith.constant 0 : i32
      %dma_wait3A_226 = tpu.memref_slice %arg4[%add3A_36, %dma_wait3A_225] : memref<832x16384xf32, #tpu.memory_space<hbm>> -> memref<1x2048xf32, #tpu.memory_space<hbm>>
      %dma_wait3A_227 = tpu.memref_squeeze %dma_wait3A_226 : memref<1x2048xf32, #tpu.memory_space<hbm>> -> memref<2048xf32, #tpu.memory_space<hbm>>
      %dma_wait3A_228 = arith.constant 0 : i32
      %dma_wait3A_229 = tpu.memref_slice %arg4[%add3A_36, %dma_wait3A_228] : memref<832x16384xf32, #tpu.memory_space<hbm>> -> memref<1x2048xf32, #tpu.memory_space<hbm>>
      %dma_wait3A_230 = tpu.memref_squeeze %dma_wait3A_229 : memref<1x2048xf32, #tpu.memory_space<hbm>> -> memref<2048xf32, #tpu.memory_space<hbm>>
      %dma_wait3A_231 = arith.constant 0 : i32
      %dma_wait3A_232 = tpu.memref_slice %arg7[%dma_wait3A_221, %dma_wait3A_231] : memref<2x2048xf32, #tpu.memory_space<vmem>> -> memref<1x2048xf32, #tpu.memory_space<vmem>>
      %dma_wait3A_233 = tpu.memref_squeeze %dma_wait3A_232 : memref<1x2048xf32, #tpu.memory_space<vmem>> -> memref<2048xf32, #tpu.memory_space<vmem>>
      tpu.wait_dma2 semaphore(%arg8 : memref<!tpu.dma_semaphore, #tpu.memory_space<semaphore_mem>>) src(%dma_wait3A_233 : memref<2048xf32, #tpu.memory_space<vmem>>) dst(%dma_wait3A_230 : memref<2048xf32, #tpu.memory_space<hbm>>)
      %scan3A_234 = arith.constant 0 : i32
      %scan3A_235 = arith.constant 0 : i32
      %scan3A_236 = arith.constant 16 : i32
      %scan3A_237 = arith.addi %scan3A_235, %scan3A_236 : i32
      %scan3A_238 = arith.constant 1 : i32
      scf.for %scan3A_285 = %scan3A_235 to %scan3A_237 step %scan3A_238  : i32 {
        %mul3A_286 = arith.constant 128 : i32
        %mul3A_287 = arith.muli %scan3A_285, %mul3A_286 : i32
        %add3A_288 = arith.constant 0 : i32
        %add3A_289 = arith.addi %mul3A_287, %add3A_288 : i32
        %add3A_290 = arith.constant 96 : i32
        %add3A_291 = arith.addi %add3A_290, %scan3A_285 : i32
        %get3A = arith.index_cast %add3A_291 : i32 to index
        %get3A_292 = arith.constant 0 : index
        %get3A_293 = tpu.vector_load %arg5[%get3A, %get3A_292] {strides = array<i32>} : memref<128x128xi32, #tpu.memory_space<vmem>>, vector<16xi32>,
        %gather3A = tpu.vector_load_idx %arg6[%get3A_293] : memref<100000xf32, #tpu.memory_space<vmem>>[vector<16xi32>], vector<16xf32>,
        %swap3A = arith.constant 0 : i32
        %swap3A_294 = arith.index_cast %swap3A : i32 to index
        %swap3A_295 = arith.index_cast %add3A_289 : i32 to index
        %swap3A_296 = tpu.vector_load %arg7[%swap3A_294, %swap3A_295] {strides = array<i32>} : memref<2x2048xf32, #tpu.memory_space<vmem>>, vector<16xf32>,
        tpu.vector_store %arg7[%swap3A_294, %swap3A_295], %gather3A {strides = array<i32>} : memref<2x2048xf32, #tpu.memory_space<vmem>>, vector<16xf32>,
        %mul3A_297 = arith.constant 128 : i32
        %mul3A_298 = arith.muli %scan3A_285, %mul3A_297 : i32
        %add3A_299 = arith.constant 16 : i32
        %add3A_300 = arith.addi %mul3A_298, %add3A_299 : i32
        %add3A_301 = arith.constant 96 : i32
        %add3A_302 = arith.addi %add3A_301, %scan3A_285 : i32
        %get3A_303 = arith.index_cast %add3A_302 : i32 to index
        %get3A_304 = arith.constant 16 : index
        %get3A_305 = tpu.vector_load %arg5[%get3A_303, %get3A_304] {strides = array<i32>} : memref<128x128xi32, #tpu.memory_space<vmem>>, vector<16xi32>,
        %gather3A_306 = tpu.vector_load_idx %arg6[%get3A_305] : memref<100000xf32, #tpu.memory_space<vmem>>[vector<16xi32>], vector<16xf32>,
        %swap3A_307 = arith.constant 0 : i32
        %swap3A_308 = arith.index_cast %swap3A_307 : i32 to index
        %swap3A_309 = arith.index_cast %add3A_300 : i32 to index
        %swap3A_310 = tpu.vector_load %arg7[%swap3A_308, %swap3A_309] {strides = array<i32>} : memref<2x2048xf32, #tpu.memory_space<vmem>>, vector<16xf32>,
        tpu.vector_store %arg7[%swap3A_308, %swap3A_309], %gather3A_306 {strides = array<i32>} : memref<2x2048xf32, #tpu.memory_space<vmem>>, vector<16xf32>,
        %mul3A_311 = arith.constant 128 : i32
        %mul3A_312 = arith.muli %scan3A_285, %mul3A_311 : i32
        %add3A_313 = arith.constant 32 : i32
        %add3A_314 = arith.addi %mul3A_312, %add3A_313 : i32
        %add3A_315 = arith.constant 96 : i32
        %add3A_316 = arith.addi %add3A_315, %scan3A_285 : i32
        %get3A_317 = arith.index_cast %add3A_316 : i32 to index
        %get3A_318 = arith.constant 32 : index
        %get3A_319 = tpu.vector_load %arg5[%get3A_317, %get3A_318] {strides = array<i32>} : memref<128x128xi32, #tpu.memory_space<vmem>>, vector<16xi32>,
        %gather3A_320 = tpu.vector_load_idx %arg6[%get3A_319] : memref<100000xf32, #tpu.memory_space<vmem>>[vector<16xi32>], vector<16xf32>,
        %swap3A_321 = arith.constant 0 : i32
        %swap3A_322 = arith.index_cast %swap3A_321 : i32 to index
        %swap3A_323 = arith.index_cast %add3A_314 : i32 to index
        %swap3A_324 = tpu.vector_load %arg7[%swap3A_322, %swap3A_323] {strides = array<i32>} : memref<2x2048xf32, #tpu.memory_space<vmem>>, vector<16xf32>,
        tpu.vector_store %arg7[%swap3A_322, %swap3A_323], %gather3A_320 {strides = array<i32>} : memref<2x2048xf32, #tpu.memory_space<vmem>>, vector<16xf32>,
        %mul3A_325 = arith.constant 128 : i32
        %mul3A_326 = arith.muli %scan3A_285, %mul3A_325 : i32
        %add3A_327 = arith.constant 48 : i32
        %add3A_328 = arith.addi %mul3A_326, %add3A_327 : i32
        %add3A_329 = arith.constant 96 : i32
        %add3A_330 = arith.addi %add3A_329, %scan3A_285 : i32
        %get3A_331 = arith.index_cast %add3A_330 : i32 to index
        %get3A_332 = arith.constant 48 : index
        %get3A_333 = tpu.vector_load %arg5[%get3A_331, %get3A_332] {strides = array<i32>} : memref<128x128xi32, #tpu.memory_space<vmem>>, vector<16xi32>,
        %gather3A_334 = tpu.vector_load_idx %arg6[%get3A_333] : memref<100000xf32, #tpu.memory_space<vmem>>[vector<16xi32>], vector<16xf32>,
        %swap3A_335 = arith.constant 0 : i32
        %swap3A_336 = arith.index_cast %swap3A_335 : i32 to index
        %swap3A_337 = arith.index_cast %add3A_328 : i32 to index
        %swap3A_338 = tpu.vector_load %arg7[%swap3A_336, %swap3A_337] {strides = array<i32>} : memref<2x2048xf32, #tpu.memory_space<vmem>>, vector<16xf32>,
        tpu.vector_store %arg7[%swap3A_336, %swap3A_337], %gather3A_334 {strides = array<i32>} : memref<2x2048xf32, #tpu.memory_space<vmem>>, vector<16xf32>,
        %mul3A_339 = arith.constant 128 : i32
        %mul3A_340 = arith.muli %scan3A_285, %mul3A_339 : i32
        %add3A_341 = arith.constant 64 : i32
        %add3A_342 = arith.addi %mul3A_340, %add3A_341 : i32
        %add3A_343 = arith.constant 96 : i32
        %add3A_344 = arith.addi %add3A_343, %scan3A_285 : i32
        %get3A_345 = arith.index_cast %add3A_344 : i32 to index
        %get3A_346 = arith.constant 64 : index
        %get3A_347 = tpu.vector_load %arg5[%get3A_345, %get3A_346] {strides = array<i32>} : memref<128x128xi32, #tpu.memory_space<vmem>>, vector<16xi32>,
        %gather3A_348 = tpu.vector_load_idx %arg6[%get3A_347] : memref<100000xf32, #tpu.memory_space<vmem>>[vector<16xi32>], vector<16xf32>,
        %swap3A_349 = arith.constant 0 : i32
        %swap3A_350 = arith.index_cast %swap3A_349 : i32 to index
        %swap3A_351 = arith.index_cast %add3A_342 : i32 to index
        %swap3A_352 = tpu.vector_load %arg7[%swap3A_350, %swap3A_351] {strides = array<i32>} : memref<2x2048xf32, #tpu.memory_space<vmem>>, vector<16xf32>,
        tpu.vector_store %arg7[%swap3A_350, %swap3A_351], %gather3A_348 {strides = array<i32>} : memref<2x2048xf32, #tpu.memory_space<vmem>>, vector<16xf32>,
        %mul3A_353 = arith.constant 128 : i32
        %mul3A_354 = arith.muli %scan3A_285, %mul3A_353 : i32
        %add3A_355 = arith.constant 80 : i32
        %add3A_356 = arith.addi %mul3A_354, %add3A_355 : i32
        %add3A_357 = arith.constant 96 : i32
        %add3A_358 = arith.addi %add3A_357, %scan3A_285 : i32
        %get3A_359 = arith.index_cast %add3A_358 : i32 to index
        %get3A_360 = arith.constant 80 : index
        %get3A_361 = tpu.vector_load %arg5[%get3A_359, %get3A_360] {strides = array<i32>} : memref<128x128xi32, #tpu.memory_space<vmem>>, vector<16xi32>,
        %gather3A_362 = tpu.vector_load_idx %arg6[%get3A_361] : memref<100000xf32, #tpu.memory_space<vmem>>[vector<16xi32>], vector<16xf32>,
        %swap3A_363 = arith.constant 0 : i32
        %swap3A_364 = arith.index_cast %swap3A_363 : i32 to index
        %swap3A_365 = arith.index_cast %add3A_356 : i32 to index
        %swap3A_366 = tpu.vector_load %arg7[%swap3A_364, %swap3A_365] {strides = array<i32>} : memref<2x2048xf32, #tpu.memory_space<vmem>>, vector<16xf32>,
        tpu.vector_store %arg7[%swap3A_364, %swap3A_365], %gather3A_362 {strides = array<i32>} : memref<2x2048xf32, #tpu.memory_space<vmem>>, vector<16xf32>,
        %mul3A_367 = arith.constant 128 : i32
        %mul3A_368 = arith.muli %scan3A_285, %mul3A_367 : i32
        %add3A_369 = arith.constant 96 : i32
        %add3A_370 = arith.addi %mul3A_368, %add3A_369 : i32
        %add3A_371 = arith.constant 96 : i32
        %add3A_372 = arith.addi %add3A_371, %scan3A_285 : i32
        %get3A_373 = arith.index_cast %add3A_372 : i32 to index
        %get3A_374 = arith.constant 96 : index
        %get3A_375 = tpu.vector_load %arg5[%get3A_373, %get3A_374] {strides = array<i32>} : memref<128x128xi32, #tpu.memory_space<vmem>>, vector<16xi32>,
        %gather3A_376 = tpu.vector_load_idx %arg6[%get3A_375] : memref<100000xf32, #tpu.memory_space<vmem>>[vector<16xi32>], vector<16xf32>,
        %swap3A_377 = arith.constant 0 : i32
        %swap3A_378 = arith.index_cast %swap3A_377 : i32 to index
        %swap3A_379 = arith.index_cast %add3A_370 : i32 to index
        %swap3A_380 = tpu.vector_load %arg7[%swap3A_378, %swap3A_379] {strides = array<i32>} : memref<2x2048xf32, #tpu.memory_space<vmem>>, vector<16xf32>,
        tpu.vector_store %arg7[%swap3A_378, %swap3A_379], %gather3A_376 {strides = array<i32>} : memref<2x2048xf32, #tpu.memory_space<vmem>>, vector<16xf32>,
        %mul3A_381 = arith.constant 128 : i32
        %mul3A_382 = arith.muli %scan3A_285, %mul3A_381 : i32
        %add3A_383 = arith.constant 112 : i32
        %add3A_384 = arith.addi %mul3A_382, %add3A_383 : i32
        %add3A_385 = arith.constant 96 : i32
        %add3A_386 = arith.addi %add3A_385, %scan3A_285 : i32
        %get3A_387 = arith.index_cast %add3A_386 : i32 to index
        %get3A_388 = arith.constant 112 : index
        %get3A_389 = tpu.vector_load %arg5[%get3A_387, %get3A_388] {strides = array<i32>} : memref<128x128xi32, #tpu.memory_space<vmem>>, vector<16xi32>,
        %gather3A_390 = tpu.vector_load_idx %arg6[%get3A_389] : memref<100000xf32, #tpu.memory_space<vmem>>[vector<16xi32>], vector<16xf32>,
        %swap3A_391 = arith.constant 0 : i32
        %swap3A_392 = arith.index_cast %swap3A_391 : i32 to index
        %swap3A_393 = arith.index_cast %add3A_384 : i32 to index
        %swap3A_394 = tpu.vector_load %arg7[%swap3A_392, %swap3A_393] {strides = array<i32>} : memref<2x2048xf32, #tpu.memory_space<vmem>>, vector<16xf32>,
        tpu.vector_store %arg7[%swap3A_392, %swap3A_393], %gather3A_390 {strides = array<i32>} : memref<2x2048xf32, #tpu.memory_space<vmem>>, vector<16xf32>,
      }
      %scan3A_239 = arith.constant 16 : i32
      %dma_start3A_240 = arith.constant 0 : i32
      %dma_start3A_241 = arith.constant 0 : i32
      %dma_start3A_242 = tpu.memref_slice %arg7[%dma_start3A_240, %dma_start3A_241] : memref<2x2048xf32, #tpu.memory_space<vmem>> -> memref<1x2048xf32, #tpu.memory_space<vmem>>
      %dma_start3A_243 = tpu.memref_squeeze %dma_start3A_242 : memref<1x2048xf32, #tpu.memory_space<vmem>> -> memref<2048xf32, #tpu.memory_space<vmem>>
      %dma_start3A_244 = arith.constant 12288 : i32
      %dma_start3A_245 = tpu.memref_slice %arg4[%add3A_36, %dma_start3A_244] : memref<832x16384xf32, #tpu.memory_space<hbm>> -> memref<1x2048xf32, #tpu.memory_space<hbm>>
      %dma_start3A_246 = tpu.memref_squeeze %dma_start3A_245 : memref<1x2048xf32, #tpu.memory_space<hbm>> -> memref<2048xf32, #tpu.memory_space<hbm>>
      %dma_start3A_247 = arith.constant 12288 : i32
      %dma_start3A_248 = tpu.memref_slice %arg4[%add3A_36, %dma_start3A_247] : memref<832x16384xf32, #tpu.memory_space<hbm>> -> memref<1x2048xf32, #tpu.memory_space<hbm>>
      %dma_start3A_249 = tpu.memref_squeeze %dma_start3A_248 : memref<1x2048xf32, #tpu.memory_space<hbm>> -> memref<2048xf32, #tpu.memory_space<hbm>>
      %dma_start3A_250 = arith.constant 0 : i32
      %dma_start3A_251 = tpu.memref_slice %arg7[%dma_start3A_240, %dma_start3A_250] : memref<2x2048xf32, #tpu.memory_space<vmem>> -> memref<1x2048xf32, #tpu.memory_space<vmem>>
      %dma_start3A_252 = tpu.memref_squeeze %dma_start3A_251 : memref<1x2048xf32, #tpu.memory_space<vmem>> -> memref<2048xf32, #tpu.memory_space<vmem>>
      tpu.enqueue_dma source(%dma_start3A_252 : memref<2048xf32, #tpu.memory_space<vmem>>) target(%dma_start3A_249 : memref<2048xf32, #tpu.memory_space<hbm>>) target_semaphore(%arg8 : memref<!tpu.dma_semaphore, #tpu.memory_space<semaphore_mem>>)
      %dma_wait3A_253 = arith.constant 1 : i32
      %dma_wait3A_254 = arith.constant 0 : i32
      %dma_wait3A_255 = tpu.memref_slice %arg7[%dma_wait3A_253, %dma_wait3A_254] : memref<2x2048xf32, #tpu.memory_space<vmem>> -> memref<1x2048xf32, #tpu.memory_space<vmem>>
      %dma_wait3A_256 = tpu.memref_squeeze %dma_wait3A_255 : memref<1x2048xf32, #tpu.memory_space<vmem>> -> memref<2048xf32, #tpu.memory_space<vmem>>
      %dma_wait3A_257 = arith.constant 0 : i32
      %dma_wait3A_258 = tpu.memref_slice %arg4[%add3A_36, %dma_wait3A_257] : memref<832x16384xf32, #tpu.memory_space<hbm>> -> memref<1x2048xf32, #tpu.memory_space<hbm>>
      %dma_wait3A_259 = tpu.memref_squeeze %dma_wait3A_258 : memref<1x2048xf32, #tpu.memory_space<hbm>> -> memref<2048xf32, #tpu.memory_space<hbm>>
      %dma_wait3A_260 = arith.constant 0 : i32
      %dma_wait3A_261 = tpu.memref_slice %arg4[%add3A_36, %dma_wait3A_260] : memref<832x16384xf32, #tpu.memory_space<hbm>> -> memref<1x2048xf32, #tpu.memory_space<hbm>>
      %dma_wait3A_262 = tpu.memref_squeeze %dma_wait3A_261 : memref<1x2048xf32, #tpu.memory_space<hbm>> -> memref<2048xf32, #tpu.memory_space<hbm>>
      %dma_wait3A_263 = arith.constant 0 : i32
      %dma_wait3A_264 = tpu.memref_slice %arg7[%dma_wait3A_253, %dma_wait3A_263] : memref<2x2048xf32, #tpu.memory_space<vmem>> -> memref<1x2048xf32, #tpu.memory_space<vmem>>
      %dma_wait3A_265 = tpu.memref_squeeze %dma_wait3A_264 : memref<1x2048xf32, #tpu.memory_space<vmem>> -> memref<2048xf32, #tpu.memory_space<vmem>>
      tpu.wait_dma2 semaphore(%arg9 : memref<!tpu.dma_semaphore, #tpu.memory_space<semaphore_mem>>) src(%dma_wait3A_265 : memref<2048xf32, #tpu.memory_space<vmem>>) dst(%dma_wait3A_262 : memref<2048xf32, #tpu.memory_space<hbm>>)
      %scan3A_266 = arith.constant 0 : i32
      %scan3A_267 = arith.constant 0 : i32
      %scan3A_268 = arith.constant 16 : i32
      %scan3A_269 = arith.addi %scan3A_267, %scan3A_268 : i32
      %scan3A_270 = arith.constant 1 : i32
      scf.for %scan3A_285 = %scan3A_267 to %scan3A_269 step %scan3A_270  : i32 {
        %mul3A_286 = arith.constant 128 : i32
        %mul3A_287 = arith.muli %scan3A_285, %mul3A_286 : i32
        %add3A_288 = arith.constant 0 : i32
        %add3A_289 = arith.addi %mul3A_287, %add3A_288 : i32
        %add3A_290 = arith.constant 112 : i32
        %add3A_291 = arith.addi %add3A_290, %scan3A_285 : i32
        %get3A = arith.index_cast %add3A_291 : i32 to index
        %get3A_292 = arith.constant 0 : index
        %get3A_293 = tpu.vector_load %arg5[%get3A, %get3A_292] {strides = array<i32>} : memref<128x128xi32, #tpu.memory_space<vmem>>, vector<16xi32>,
        %gather3A = tpu.vector_load_idx %arg6[%get3A_293] : memref<100000xf32, #tpu.memory_space<vmem>>[vector<16xi32>], vector<16xf32>,
        %swap3A = arith.constant 1 : i32
        %swap3A_294 = arith.index_cast %swap3A : i32 to index
        %swap3A_295 = arith.index_cast %add3A_289 : i32 to index
        %swap3A_296 = tpu.vector_load %arg7[%swap3A_294, %swap3A_295] {strides = array<i32>} : memref<2x2048xf32, #tpu.memory_space<vmem>>, vector<16xf32>,
        tpu.vector_store %arg7[%swap3A_294, %swap3A_295], %gather3A {strides = array<i32>} : memref<2x2048xf32, #tpu.memory_space<vmem>>, vector<16xf32>,
        %mul3A_297 = arith.constant 128 : i32
        %mul3A_298 = arith.muli %scan3A_285, %mul3A_297 : i32
        %add3A_299 = arith.constant 16 : i32
        %add3A_300 = arith.addi %mul3A_298, %add3A_299 : i32
        %add3A_301 = arith.constant 112 : i32
        %add3A_302 = arith.addi %add3A_301, %scan3A_285 : i32
        %get3A_303 = arith.index_cast %add3A_302 : i32 to index
        %get3A_304 = arith.constant 16 : index
        %get3A_305 = tpu.vector_load %arg5[%get3A_303, %get3A_304] {strides = array<i32>} : memref<128x128xi32, #tpu.memory_space<vmem>>, vector<16xi32>,
        %gather3A_306 = tpu.vector_load_idx %arg6[%get3A_305] : memref<100000xf32, #tpu.memory_space<vmem>>[vector<16xi32>], vector<16xf32>,
        %swap3A_307 = arith.constant 1 : i32
        %swap3A_308 = arith.index_cast %swap3A_307 : i32 to index
        %swap3A_309 = arith.index_cast %add3A_300 : i32 to index
        %swap3A_310 = tpu.vector_load %arg7[%swap3A_308, %swap3A_309] {strides = array<i32>} : memref<2x2048xf32, #tpu.memory_space<vmem>>, vector<16xf32>,
        tpu.vector_store %arg7[%swap3A_308, %swap3A_309], %gather3A_306 {strides = array<i32>} : memref<2x2048xf32, #tpu.memory_space<vmem>>, vector<16xf32>,
        %mul3A_311 = arith.constant 128 : i32
        %mul3A_312 = arith.muli %scan3A_285, %mul3A_311 : i32
        %add3A_313 = arith.constant 32 : i32
        %add3A_314 = arith.addi %mul3A_312, %add3A_313 : i32
        %add3A_315 = arith.constant 112 : i32
        %add3A_316 = arith.addi %add3A_315, %scan3A_285 : i32
        %get3A_317 = arith.index_cast %add3A_316 : i32 to index
        %get3A_318 = arith.constant 32 : index
        %get3A_319 = tpu.vector_load %arg5[%get3A_317, %get3A_318] {strides = array<i32>} : memref<128x128xi32, #tpu.memory_space<vmem>>, vector<16xi32>,
        %gather3A_320 = tpu.vector_load_idx %arg6[%get3A_319] : memref<100000xf32, #tpu.memory_space<vmem>>[vector<16xi32>], vector<16xf32>,
        %swap3A_321 = arith.constant 1 : i32
        %swap3A_322 = arith.index_cast %swap3A_321 : i32 to index
        %swap3A_323 = arith.index_cast %add3A_314 : i32 to index
        %swap3A_324 = tpu.vector_load %arg7[%swap3A_322, %swap3A_323] {strides = array<i32>} : memref<2x2048xf32, #tpu.memory_space<vmem>>, vector<16xf32>,
        tpu.vector_store %arg7[%swap3A_322, %swap3A_323], %gather3A_320 {strides = array<i32>} : memref<2x2048xf32, #tpu.memory_space<vmem>>, vector<16xf32>,
        %mul3A_325 = arith.constant 128 : i32
        %mul3A_326 = arith.muli %scan3A_285, %mul3A_325 : i32
        %add3A_327 = arith.constant 48 : i32
        %add3A_328 = arith.addi %mul3A_326, %add3A_327 : i32
        %add3A_329 = arith.constant 112 : i32
        %add3A_330 = arith.addi %add3A_329, %scan3A_285 : i32
        %get3A_331 = arith.index_cast %add3A_330 : i32 to index
        %get3A_332 = arith.constant 48 : index
        %get3A_333 = tpu.vector_load %arg5[%get3A_331, %get3A_332] {strides = array<i32>} : memref<128x128xi32, #tpu.memory_space<vmem>>, vector<16xi32>,
        %gather3A_334 = tpu.vector_load_idx %arg6[%get3A_333] : memref<100000xf32, #tpu.memory_space<vmem>>[vector<16xi32>], vector<16xf32>,
        %swap3A_335 = arith.constant 1 : i32
        %swap3A_336 = arith.index_cast %swap3A_335 : i32 to index
        %swap3A_337 = arith.index_cast %add3A_328 : i32 to index
        %swap3A_338 = tpu.vector_load %arg7[%swap3A_336, %swap3A_337] {strides = array<i32>} : memref<2x2048xf32, #tpu.memory_space<vmem>>, vector<16xf32>,
        tpu.vector_store %arg7[%swap3A_336, %swap3A_337], %gather3A_334 {strides = array<i32>} : memref<2x2048xf32, #tpu.memory_space<vmem>>, vector<16xf32>,
        %mul3A_339 = arith.constant 128 : i32
        %mul3A_340 = arith.muli %scan3A_285, %mul3A_339 : i32
        %add3A_341 = arith.constant 64 : i32
        %add3A_342 = arith.addi %mul3A_340, %add3A_341 : i32
        %add3A_343 = arith.constant 112 : i32
        %add3A_344 = arith.addi %add3A_343, %scan3A_285 : i32
        %get3A_345 = arith.index_cast %add3A_344 : i32 to index
        %get3A_346 = arith.constant 64 : index
        %get3A_347 = tpu.vector_load %arg5[%get3A_345, %get3A_346] {strides = array<i32>} : memref<128x128xi32, #tpu.memory_space<vmem>>, vector<16xi32>,
        %gather3A_348 = tpu.vector_load_idx %arg6[%get3A_347] : memref<100000xf32, #tpu.memory_space<vmem>>[vector<16xi32>], vector<16xf32>,
        %swap3A_349 = arith.constant 1 : i32
        %swap3A_350 = arith.index_cast %swap3A_349 : i32 to index
        %swap3A_351 = arith.index_cast %add3A_342 : i32 to index
        %swap3A_352 = tpu.vector_load %arg7[%swap3A_350, %swap3A_351] {strides = array<i32>} : memref<2x2048xf32, #tpu.memory_space<vmem>>, vector<16xf32>,
        tpu.vector_store %arg7[%swap3A_350, %swap3A_351], %gather3A_348 {strides = array<i32>} : memref<2x2048xf32, #tpu.memory_space<vmem>>, vector<16xf32>,
        %mul3A_353 = arith.constant 128 : i32
        %mul3A_354 = arith.muli %scan3A_285, %mul3A_353 : i32
        %add3A_355 = arith.constant 80 : i32
        %add3A_356 = arith.addi %mul3A_354, %add3A_355 : i32
        %add3A_357 = arith.constant 112 : i32
        %add3A_358 = arith.addi %add3A_357, %scan3A_285 : i32
        %get3A_359 = arith.index_cast %add3A_358 : i32 to index
        %get3A_360 = arith.constant 80 : index
        %get3A_361 = tpu.vector_load %arg5[%get3A_359, %get3A_360] {strides = array<i32>} : memref<128x128xi32, #tpu.memory_space<vmem>>, vector<16xi32>,
        %gather3A_362 = tpu.vector_load_idx %arg6[%get3A_361] : memref<100000xf32, #tpu.memory_space<vmem>>[vector<16xi32>], vector<16xf32>,
        %swap3A_363 = arith.constant 1 : i32
        %swap3A_364 = arith.index_cast %swap3A_363 : i32 to index
        %swap3A_365 = arith.index_cast %add3A_356 : i32 to index
        %swap3A_366 = tpu.vector_load %arg7[%swap3A_364, %swap3A_365] {strides = array<i32>} : memref<2x2048xf32, #tpu.memory_space<vmem>>, vector<16xf32>,
        tpu.vector_store %arg7[%swap3A_364, %swap3A_365], %gather3A_362 {strides = array<i32>} : memref<2x2048xf32, #tpu.memory_space<vmem>>, vector<16xf32>,
        %mul3A_367 = arith.constant 128 : i32
        %mul3A_368 = arith.muli %scan3A_285, %mul3A_367 : i32
        %add3A_369 = arith.constant 96 : i32
        %add3A_370 = arith.addi %mul3A_368, %add3A_369 : i32
        %add3A_371 = arith.constant 112 : i32
        %add3A_372 = arith.addi %add3A_371, %scan3A_285 : i32
        %get3A_373 = arith.index_cast %add3A_372 : i32 to index
        %get3A_374 = arith.constant 96 : index
        %get3A_375 = tpu.vector_load %arg5[%get3A_373, %get3A_374] {strides = array<i32>} : memref<128x128xi32, #tpu.memory_space<vmem>>, vector<16xi32>,
        %gather3A_376 = tpu.vector_load_idx %arg6[%get3A_375] : memref<100000xf32, #tpu.memory_space<vmem>>[vector<16xi32>], vector<16xf32>,
        %swap3A_377 = arith.constant 1 : i32
        %swap3A_378 = arith.index_cast %swap3A_377 : i32 to index
        %swap3A_379 = arith.index_cast %add3A_370 : i32 to index
        %swap3A_380 = tpu.vector_load %arg7[%swap3A_378, %swap3A_379] {strides = array<i32>} : memref<2x2048xf32, #tpu.memory_space<vmem>>, vector<16xf32>,
        tpu.vector_store %arg7[%swap3A_378, %swap3A_379], %gather3A_376 {strides = array<i32>} : memref<2x2048xf32, #tpu.memory_space<vmem>>, vector<16xf32>,
        %mul3A_381 = arith.constant 128 : i32
        %mul3A_382 = arith.muli %scan3A_285, %mul3A_381 : i32
        %add3A_383 = arith.constant 112 : i32
        %add3A_384 = arith.addi %mul3A_382, %add3A_383 : i32
        %add3A_385 = arith.constant 112 : i32
        %add3A_386 = arith.addi %add3A_385, %scan3A_285 : i32
        %get3A_387 = arith.index_cast %add3A_386 : i32 to index
        %get3A_388 = arith.constant 112 : index
        %get3A_389 = tpu.vector_load %arg5[%get3A_387, %get3A_388] {strides = array<i32>} : memref<128x128xi32, #tpu.memory_space<vmem>>, vector<16xi32>,
        %gather3A_390 = tpu.vector_load_idx %arg6[%get3A_389] : memref<100000xf32, #tpu.memory_space<vmem>>[vector<16xi32>], vector<16xf32>,
        %swap3A_391 = arith.constant 1 : i32
        %swap3A_392 = arith.index_cast %swap3A_391 : i32 to index
        %swap3A_393 = arith.index_cast %add3A_384 : i32 to index
        %swap3A_394 = tpu.vector_load %arg7[%swap3A_392, %swap3A_393] {strides = array<i32>} : memref<2x2048xf32, #tpu.memory_space<vmem>>, vector<16xf32>,
        tpu.vector_store %arg7[%swap3A_392, %swap3A_393], %gather3A_390 {strides = array<i32>} : memref<2x2048xf32, #tpu.memory_space<vmem>>, vector<16xf32>,
      }
      %scan3A_271 = arith.constant 16 : i32
      %dma_start3A_272 = arith.constant 1 : i32
      %dma_start3A_273 = arith.constant 0 : i32
      %dma_start3A_274 = tpu.memref_slice %arg7[%dma_start3A_272, %dma_start3A_273] : memref<2x2048xf32, #tpu.memory_space<vmem>> -> memref<1x2048xf32, #tpu.memory_space<vmem>>
      %dma_start3A_275 = tpu.memref_squeeze %dma_start3A_274 : memref<1x2048xf32, #tpu.memory_space<vmem>> -> memref<2048xf32, #tpu.memory_space<vmem>>
      %dma_start3A_276 = arith.constant 14336 : i32
      %dma_start3A_277 = tpu.memref_slice %arg4[%add3A_36, %dma_start3A_276] : memref<832x16384xf32, #tpu.memory_space<hbm>> -> memref<1x2048xf32, #tpu.memory_space<hbm>>
      %dma_start3A_278 = tpu.memref_squeeze %dma_start3A_277 : memref<1x2048xf32, #tpu.memory_space<hbm>> -> memref<2048xf32, #tpu.memory_space<hbm>>
      %dma_start3A_279 = arith.constant 14336 : i32
      %dma_start3A_280 = tpu.memref_slice %arg4[%add3A_36, %dma_start3A_279] : memref<832x16384xf32, #tpu.memory_space<hbm>> -> memref<1x2048xf32, #tpu.memory_space<hbm>>
      %dma_start3A_281 = tpu.memref_squeeze %dma_start3A_280 : memref<1x2048xf32, #tpu.memory_space<hbm>> -> memref<2048xf32, #tpu.memory_space<hbm>>
      %dma_start3A_282 = arith.constant 0 : i32
      %dma_start3A_283 = tpu.memref_slice %arg7[%dma_start3A_272, %dma_start3A_282] : memref<2x2048xf32, #tpu.memory_space<vmem>> -> memref<1x2048xf32, #tpu.memory_space<vmem>>
      %dma_start3A_284 = tpu.memref_squeeze %dma_start3A_283 : memref<1x2048xf32, #tpu.memory_space<vmem>> -> memref<2048xf32, #tpu.memory_space<vmem>>
      tpu.enqueue_dma source(%dma_start3A_284 : memref<2048xf32, #tpu.memory_space<vmem>>) target(%dma_start3A_281 : memref<2048xf32, #tpu.memory_space<hbm>>) target_semaphore(%arg9 : memref<!tpu.dma_semaphore, #tpu.memory_space<semaphore_mem>>)
    }
    %scan3A_5 = arith.constant 26 : i32
    %dma_wait3A = arith.constant 0 : i32
    %dma_wait3A_6 = arith.constant 0 : i32
    %dma_wait3A_7 = arith.constant 0 : i32
    %dma_wait3A_8 = tpu.memref_slice %arg7[%dma_wait3A, %dma_wait3A_7] : memref<2x2048xf32, #tpu.memory_space<vmem>> -> memref<1x2048xf32, #tpu.memory_space<vmem>>
    %dma_wait3A_9 = tpu.memref_squeeze %dma_wait3A_8 : memref<1x2048xf32, #tpu.memory_space<vmem>> -> memref<2048xf32, #tpu.memory_space<vmem>>
    %dma_wait3A_10 = arith.constant 0 : i32
    %dma_wait3A_11 = tpu.memref_slice %arg4[%dma_wait3A_6, %dma_wait3A_10] : memref<832x16384xf32, #tpu.memory_space<hbm>> -> memref<1x2048xf32, #tpu.memory_space<hbm>>
    %dma_wait3A_12 = tpu.memref_squeeze %dma_wait3A_11 : memref<1x2048xf32, #tpu.memory_space<hbm>> -> memref<2048xf32, #tpu.memory_space<hbm>>
    %dma_wait3A_13 = arith.constant 0 : i32
    %dma_wait3A_14 = tpu.memref_slice %arg4[%dma_wait3A_6, %dma_wait3A_13] : memref<832x16384xf32, #tpu.memory_space<hbm>> -> memref<1x2048xf32, #tpu.memory_space<hbm>>
    %dma_wait3A_15 = tpu.memref_squeeze %dma_wait3A_14 : memref<1x2048xf32, #tpu.memory_space<hbm>> -> memref<2048xf32, #tpu.memory_space<hbm>>
    %dma_wait3A_16 = arith.constant 0 : i32
    %dma_wait3A_17 = tpu.memref_slice %arg7[%dma_wait3A, %dma_wait3A_16] : memref<2x2048xf32, #tpu.memory_space<vmem>> -> memref<1x2048xf32, #tpu.memory_space<vmem>>
    %dma_wait3A_18 = tpu.memref_squeeze %dma_wait3A_17 : memref<1x2048xf32, #tpu.memory_space<vmem>> -> memref<2048xf32, #tpu.memory_space<vmem>>
    tpu.wait_dma2 semaphore(%arg8 : memref<!tpu.dma_semaphore, #tpu.memory_space<semaphore_mem>>) src(%dma_wait3A_18 : memref<2048xf32, #tpu.memory_space<vmem>>) dst(%dma_wait3A_15 : memref<2048xf32, #tpu.memory_space<hbm>>)
    %dma_wait3A_19 = arith.constant 1 : i32
    %dma_wait3A_20 = arith.constant 0 : i32
    %dma_wait3A_21 = arith.constant 0 : i32
    %dma_wait3A_22 = tpu.memref_slice %arg7[%dma_wait3A_19, %dma_wait3A_21] : memref<2x2048xf32, #tpu.memory_space<vmem>> -> memref<1x2048xf32, #tpu.memory_space<vmem>>
    %dma_wait3A_23 = tpu.memref_squeeze %dma_wait3A_22 : memref<1x2048xf32, #tpu.memory_space<vmem>> -> memref<2048xf32, #tpu.memory_space<vmem>>
    %dma_wait3A_24 = arith.constant 0 : i32
    %dma_wait3A_25 = tpu.memref_slice %arg4[%dma_wait3A_20, %dma_wait3A_24] : memref<832x16384xf32, #tpu.memory_space<hbm>> -> memref<1x2048xf32, #tpu.memory_space<hbm>>
    %dma_wait3A_26 = tpu.memref_squeeze %dma_wait3A_25 : memref<1x2048xf32, #tpu.memory_space<hbm>> -> memref<2048xf32, #tpu.memory_space<hbm>>
    %dma_wait3A_27 = arith.constant 0 : i32
    %dma_wait3A_28 = tpu.memref_slice %arg4[%dma_wait3A_20, %dma_wait3A_27] : memref<832x16384xf32, #tpu.memory_space<hbm>> -> memref<1x2048xf32, #tpu.memory_space<hbm>>
    %dma_wait3A_29 = tpu.memref_squeeze %dma_wait3A_28 : memref<1x2048xf32, #tpu.memory_space<hbm>> -> memref<2048xf32, #tpu.memory_space<hbm>>
    %dma_wait3A_30 = arith.constant 0 : i32
    %dma_wait3A_31 = tpu.memref_slice %arg7[%dma_wait3A_19, %dma_wait3A_30] : memref<2x2048xf32, #tpu.memory_space<vmem>> -> memref<1x2048xf32, #tpu.memory_space<vmem>>
    %dma_wait3A_32 = tpu.memref_squeeze %dma_wait3A_31 : memref<1x2048xf32, #tpu.memory_space<vmem>> -> memref<2048xf32, #tpu.memory_space<vmem>>
    tpu.wait_dma2 semaphore(%arg9 : memref<!tpu.dma_semaphore, #tpu.memory_space<semaphore_mem>>) src(%dma_wait3A_32 : memref<2048xf32, #tpu.memory_space<vmem>>) dst(%dma_wait3A_29 : memref<2048xf32, #tpu.memory_space<hbm>>)
    return
  }
}

</mosaic_0001>

<sc_bundles>
// kernel: kernel.3.cloned.1.call-start
scs
__scs_entry_jumppad:
0x0: {  	(pc) =	sbr.rel $0x88, $3  }
0x1: {  	(tag) =	ssettag $0x0;
	lr =	simm.s32 $0x1  }
0x2: {  	[smem:$0x3F9F] =	sst lr;
	_ =	strace $0xD0000000  }
0x3: {  	_ = 	snop  }
0x4: {  	_ = 	snop  }
0x5: {  	_ = 	snop  }
0x6: {  	_ = 	snop  }
0x7: {  	_ = 	snop  }
__scs_overlays_trampoline_lowered:
0x8: {  	[smem:$0x3FAE] =	sst s0  }
0x9: {  	[smem:$0x3FAF] =	sst s1  }
0xa: {  	[smem:$0x3FB0] =	sst s2  }
0xb: {  	[smem:$0x3FB1] =	sst s3  }
0xc: {  	[smem:$0x3FB2] =	sst s4  }
0xd: {  	[smem:$0x3FB3] =	sst s5  }
0xe: {  	[smem:$0x3FB4] =	sst s6  }
0xf: {  	[smem:$0x3FB5] =	sst s7  }
0x10: {  	[smem:$0x3FB6] =	sst s8  }
0x11: {  	[smem:$0x3FB7] =	sst s9;
	s0 =	simm.s32 @!p0 $0x0  }
0x12: {  	s1 =	sld [smem:$0x3F9D];
	s0 =	simm.s32 @p0 $0x1  }
0x13: {  	[smem:$0x3FB8] =	sst s0;
	s0 =	simm.s32 @!p1 $0x0  }
0x14: {  	s2 =	sld [smem:$0x3F9C];
	s0 =	simm.s32 @p1 $0x1  }
0x15: {  	[smem:$0x3FB9] =	sst s0;
	s0 =	simm.s32 @!p2 $0x0  }
0x16: {  	s3 =	sld [smem:$0x3FDB];
	s0 =	simm.s32 @p2 $0x1  }
0x17: {  	s4 =	simm.s32 $0x1BF5;
	[smem:$0x3FBB] =	sst s0  }
0x18: {  	s0 =	sld [smem:$0x3F9E];
	_ =	swait.ge [sflag:s4], $0x0  }
0x19: {  	s7 =	sld [smem:$0x3F9F]  }
0x1a: {  	s8 =	sadd.s32 $0xFFFFE003, lr  }
0x1b: {  	s9 =	sadd.s32 $0xFFFFFEF7, lr;
	s5 =	simm.s32 $0xFFFFFFFF;
	p2 =	slt.u32 s8, $0xFFFFF086  }
0x1c: {  	p1 =	slt.u32 s9, $0xF7A;
	s5 =	simm.s32 @!p2 $0x0  }
0x1d: {  	s5 =	simm.s32 @p1 $0x1;
	p0 =	seq.s32 s7, s2  }
0x1e: {  	s7 =	smul.u32 @!p0 $0xF7A, s2;
	p2 =	seq.s32 @!p0 s5, $0x0  }
0x1f: {  	s9 =	smul.u32 $0xF7A, s1;
	s8 =	simm.s32 @!p0 $0x1BF5;
	p2 =	por !p2, p0  }
0x20: {  	[sflag:s8] =	ssyncset.s32 @!p0 $0xFFFFF086;
	s6 =	sadd.s32 @!p0 s3, s7;
	s7 =	simm.s32 @!p0 $0x108  }
0x21: {  	s3 =	sadd.s32 s3, s9;
	s6 =	sadd.s32 @!p0 $0x88, s6;
	s7 =	simm.s32 @p2 $0x1082  }
0x22: {  	[simem:s7], [sflag:s8] =	dma.local @!p0 [hbm:s6], $0xF7A  }
0x23: {  	s9 =	sor.u32 $0xD0000000, s2;
	s6 =	simm.s32 $0x108;
	_ =	swait.ge @!p0 [sflag:s8], $0x0  }
0x24: {  	s3 =	sadd.s32 $0x88, s3;
	s6 =	simm.s32 @!p1 $0x1082;
	[sflag:s4] =	ssyncset.s32 $0xFFFFF086  }
0x25: {  	[simem:s6], [sflag:s4] =	dma.local [hbm:s3], $0xF7A  }
0x26: {  	[smem:$0x3F9F] =	sst s1;
	(tag) =	ssettag s2;
	_ =	strace s9  }
0x27: {  	s1 =	sld [smem:$0x3FAF]  }
0x28: {  	s2 =	sld [smem:$0x3FB0]  }
0x29: {  	s4 =	sld [smem:$0x3FB2]  }
0x2a: {  	p0 =	seq.s32 s5, $0x0;
	s5 =	sld [smem:$0x3FB3]  }
0x2b: {  	s6 =	sld [smem:$0x3FB4]  }
0x2c: {  	s7 =	sld [smem:$0x3FB5]  }
0x2d: {  	s3 =	simm.s32 $0x108;
	s8 =	sld [smem:$0x3FB6]  }
0x2e: {  	s3 =	simm.s32 @!p0 $0x1082;
	s9 =	sld [smem:$0x3FB7]  }
0x2f: {  	lr =	sadd.s32 s0, s3;
	s0 =	sld [smem:$0x3FAE]  }
0x30: {  	s3 =	sld [smem:$0x3FB1]  }
0x31: {  	[smem:$0x3FBA] =	sst s10  }
0x32: {  	s10 =	sld [smem:$0x3FB8];
	_ =	sdelay $0x3  }
0x33: {  	p0 =	seq.s32 s10, $0x1;
	s10 =	sld [smem:$0x3FBA];
	_ =	sdelay $0x3  }
0x34: {  	[smem:$0x3FBA] =	sst s10  }
0x35: {  	s10 =	sld [smem:$0x3FB9];
	_ =	sdelay $0x3  }
0x36: {  	p1 =	seq.s32 s10, $0x1;
	s10 =	sld [smem:$0x3FBA];
	_ =	sdelay $0x3  }
0x37: {  	[smem:$0x3FBA] =	sst s10  }
0x38: {  	s10 =	sld [smem:$0x3FBB]  }
0x39: {  	_ = 	snop;
	(pc) =	sbr.ind lr, $3  }
0x3a: {  	_ = 	snop  }
0x3b: {  	_ = 	snop  }
0x3c: {  	p2 =	seq.s32 s10, $0x1;
	s10 =	sld [smem:$0x3FBA]  }
0x3d: {  	_ =	shalt  }
0x3e: {  	_ =	shalt  }
0x3f: {  	_ =	shalt  }
0x40: {  	_ =	shalt  }
0x41: {  	_ =	shalt  }
0x42: {  	_ =	shalt  }
0x43: {  	_ =	shalt  }
0x44: {  	_ =	shalt  }
0x45: {  	_ =	shalt  }
0x46: {  	_ =	shalt  }
0x47: {  	_ =	shalt  }
0x48: {  	_ =	shalt  }
0x49: {  	_ =	shalt  }
0x4a: {  	_ =	shalt  }
0x4b: {  	_ =	shalt  }
0x4c: {  	_ =	shalt  }
0x4d: {  	_ =	shalt  }
0x4e: {  	_ =	shalt  }
0x4f: {  	_ =	shalt  }
0x50: {  	_ =	shalt  }
0x51: {  	_ =	shalt  }
0x52: {  	_ =	shalt  }
0x53: {  	_ =	shalt  }
0x54: {  	_ =	shalt  }
0x55: {  	_ =	shalt  }
0x56: {  	_ =	shalt  }
0x57: {  	_ =	shalt  }
0x58: {  	_ =	shalt  }
0x59: {  	_ =	shalt  }
0x5a: {  	_ =	shalt  }
0x5b: {  	_ =	shalt  }
0x5c: {  	_ =	shalt  }
0x5d: {  	_ =	shalt  }
0x5e: {  	_ =	shalt  }
0x5f: {  	_ =	shalt  }
0x60: {  	_ =	shalt  }
0x61: {  	_ =	shalt  }
0x62: {  	_ =	shalt  }
0x63: {  	_ =	shalt  }
0x64: {  	_ =	shalt  }
0x65: {  	_ =	shalt  }
0x66: {  	_ =	shalt  }
0x67: {  	_ =	shalt  }
0x68: {  	_ =	shalt  }
0x69: {  	_ =	shalt  }
0x6a: {  	_ =	shalt  }
0x6b: {  	_ =	shalt  }
0x6c: {  	_ =	shalt  }
0x6d: {  	_ =	shalt  }
0x6e: {  	_ =	shalt  }
0x6f: {  	_ =	shalt  }
0x70: {  	_ =	shalt  }
0x71: {  	_ =	shalt  }
0x72: {  	_ =	shalt  }
0x73: {  	_ =	shalt  }
0x74: {  	_ =	shalt  }
0x75: {  	_ =	shalt  }
0x76: {  	_ =	shalt  }
0x77: {  	_ =	shalt  }
0x78: {  	_ =	shalt  }
0x79: {  	_ =	shalt  }
0x7a: {  	_ =	shalt  }
0x7b: {  	_ =	shalt  }
0x7c: {  	_ =	shalt  }
0x7d: {  	_ =	shalt  }
0x7e: {  	_ =	shalt  }
0x7f: {  	_ =	shalt  }
0x80: {  	_ =	shalt  }
0x81: {  	_ =	shalt  }
0x82: {  	_ =	shalt  }
0x83: {  	_ =	shalt  }
0x84: {  	_ =	shalt  }
0x85: {  	_ =	shalt  }
0x86: {  	_ =	shalt  }
0x87: {  	_ =	shalt  }
.Lfunc_end0:
.L_simem_size_0:
called_computation_lowered:
.L_overlay_start_0:
0x88: {  	s2 =	sld [smem:$0x3FD9]  }
0x89: {  	s3 =	sld [smem:$0x3FFE];
	_ =	sdelay $0x1  }
0x8a: {  	s1 =	srdreg.scid  }
0x8b: {  	s0 =	sand.u32 $0x1, s1  }
0x8c: {  	s17 =	sshll.u32 s0, $0xA;
	s2 =	sadd.s32 s3, s2  }
0x8d: {  	s2 =	sadd.s32 s2, s17  }
0x8e: {  	[smem:$0x3FC6] =	sst s2  }
0x8f: {  	_ = 	snop  }
0x90: {  	s2 =	sld [smem:$0x3FC8]  }
0x91: {  	s18 =	sld [smem:$0x3FD0];
	(tm) =	ssettm $0x1  }
0x92: {  	s4 =	sld [smem:$0x3FFB];
	_ =	sdelay $0x3  }
0x93: {  	_ =	strace s4  }
0x94: {  	s4 =	sld [smem:$0x3FFC];
	_ =	sdelay $0x3  }
0x95: {  	_ =	strace s4  }
0x96: {  	s4 =	sld [smem:$0x3FFD];
	_ =	sdelay $0x3  }
0x97: {  	_ =	strace s4  }
0x98: {  	_ =	strace $0x8FFFFFFF  }
0x99: {  	s19 =	sld [smem:$0x3FDB];
	_ =	sdelay $0x1  }
0x9a: {  	s5 =	simm.s32 $_scs_section_size  }
0x9b: {  	s6 =	simm.s32 $_size__tile_overlayer_lowered;
	s7 =	simm.s32 $_tile_overlayer_lowered  }
0x9c: {  	s22 =	simm.s32 $0x1BFF;
	s21 =	sshll.u32 s7, $0x1;
	s4 =	sadd.s32 s5, s19  }
0x9d: {  	s8 =	simm.s32 $0x0;
	s20 =	sshll.u32 s6, $0x1;
	s6 =	sadd.s32 s21, s4  }
0x9e: {  	[timem:s8], [sflag:s22] =	dma.local [hbm:s6], s20  }
0x9f: {  	_ =	swait.ge [sflag:s22], s20  }
0xa0: {  	s5 =	ssub.s32 $0x0, s20;
	[sflag:s22] =	ssyncset.done $0x0  }
0xa1: {  	[sflag:s22] =	ssyncadd.s32 s5;
	_ =	sdelay $0x1  }
0xa2: {  	s23 =	simm.s32 $0x1B8B  }
0xa3: {  	_ =	swait.ge [sflag:s23], $0x1  }
0xa4: {  	[sflag:s23] =	ssyncset.done $0x0  }
0xa5: {  	s25 =	simm.s32 $0x1B8E;
	s24 =	sld [smem:$0x3FFE];
	[sflag:s23] =	ssyncadd.s32 $0xFFFFFFFF  }
0xa6: {  	s26 =	simm.s32 $execute0_lowered;
	[smem:$0x3FD2] =	sst s25  }
0xa7: {  	s6 =	sshll.u32 s26, $0x1;
	_ =	strace $0x80000046;
	[dreg:$0x1] =	wrdreg $0xFFFFFFFF  }
0xa8: {  	s28 =	simm.s32 $_size_execute0_lowered;
	s4 =	sadd.s32 s4, s6;
	[dreg:$0x0] =	wrdreg $0x0  }
0xa9: {  	s6 =	sshll.u32 s28, $0x1;
	[dreg:$0x2] =	wrdreg s4  }
0xaa: {  	[dreg:$0x3] =	wrdreg s6  }
0xab: {  	[dreg:$0x4] =	wrdreg $0xC0  }
0xac: {  	_ =	task [dreg:s8], $0x5FFFF  }
0xad: {  	[dreg:$0x1] =	wrdreg $0xFFFFFFFF  }
0xae: {  	[dreg:$0x0] =	wrdreg $0x60  }
0xaf: {  	[dreg:$0x2] =	wrdreg s24  }
0xb0: {  	[dreg:$0x3] =	wrdreg s2  }
0xb1: {  	[dreg:$0x4] =	wrdreg s18  }
0xb2: {  	[dreg:$0x5] =	wrdreg $0x9  }
0xb3: {  	_ =	task.clear_ibuf [dreg:s8], $0x6FFFF;
	_ =	strace $0x90000046  }
0xb4: {  	s29 =	simm.s32 $0x9;
	_ =	strace $0x80000048  }
0xb5: {  	_ =	swait.ge [sflag:s29], $0x1  }
0xb6: {  	[sflag:s29] =	ssyncadd.s32 $0xFFFFFFFF  }
0xb7: {  	_ =	strace $0x90000048  }
0xb8: {  	_ =	sfence  }
0xb9: {  	s30 =	sld [smem:$0x0];
	_ =	sdelay $0x2  }
0xba: {  	s31 =	sshll.u32 s1, $0xD;
	s1 =	sshrl.u32 s1, $0x2  }
0xbb: {  	s3 =	sand.u32 $0x4000, s31;
	s1 =	sadd.s32 s1, s30  }
0xbc: {  	s0 =	sor.u32 s3, s0;
	s1 =	sshll.u32 s1, $0x11  }
0xbd: {  	s0 =	sor.u32 s1, s0  }
0xbe: {  	s0 =	sadd.s32 $0x8F2B, s0  }
0xbf: {  	[sflag:s0] =	ssyncadd.remote.s32 $0x1  }
0xc0: {  	_ =	sfence.sel $0xFFFF  }
0xc1: {  	[dreg:$0x0] =	wrdreg $0xFFFFFFFF;
	(pc) =	sbr.abs _section_cstart, $3  }
0xc2: {  	[dreg:$0x1] =	wrdreg $0xFFFFFFFF  }
0xc3: {  	_ =	task.clear_ibuf [dreg:s8], $0x2FFFF;
	_ =	strace $0x9FFFFFFF  }
0xc4: {  	(tm) =	ssettm $0x7FFFFFFF  }
0xc5: {  	_ =	shalt  }
tec
execute0_lowered:
.L_overlay_start_1:
0x0: {  	(tag) =	ssettag $0x1  }
0x1: {  	s0 =	rddreg [dreg:$0x0]  }
0x2: {  	s31 =	rddreg [dreg:$0x2]  }
0x3: {  	s1 =	srdreg.scid;
	s3 =	stileid.u32  }
0x4: {  	s4 =	simm.s32 $0x0;
	s18 =	simm.s32 $0x4000;
	s16 =	simm.s32 $0x1D500  }
0x5: {  	s17 =	simm.s32 $0x1D600;
	s7 =	simm.s32 $0x1C980;
	s8 =	simm.s32 $0x1CA80  }
0x6: {  	s9 =	simm.s32 $0x1CB80;
	s10 =	simm.s32 $0x1CC80;
	s11 =	simm.s32 $0x1CD80  }
0x7: {  	s12 =	simm.s32 $0x1CE80;
	s13 =	simm.s32 $0x1CF80;
	s14 =	simm.s32 $0x1D080  }
0x8: {  	s19 =	simm.s32 $0x1D180;
	[smem:$0x7FF] =	sst s4;
	s0 =	sadd.s32 $0x400, s0  }
0x9: {  	s24 =	sadd.s32 $0x800, s31;
	_ =	strace $0x80000047;
	[dreg:$0x5] =	wrdreg s0  }
0xa: {  	s20 =	simm.s32 $0x1D280;
	s25 =	sadd.s32 $0x1000, s31;
	[dreg:$0x8] =	wrdreg s24  }
0xb: {  	s1 =	sand.u32 $0x1, s1;
	s26 =	sadd.s32 $0x1800, s31;
	[dreg:$0x9] =	wrdreg s25  }
0xc: {  	s2 =	sshll.u32 s3, $0x1;
	s28 =	sadd.s32 $0x2000, s31;
	[dreg:$0xa] =	wrdreg s26  }
0xd: {  	s3 =	sshrl.u32 s3, $0x2;
	s29 =	sadd.s32 $0x2800, s31;
	[dreg:$0xb] =	wrdreg s28  }
0xe: {  	s30 =	sadd.s32 $0x3000, s31;
	s2 =	sor.u32 s1, s2;
	[dreg:$0xc] =	wrdreg s29  }
0xf: {  	s1 =	ssub.s32 $0x2, s1;
	s3 =	smul.u32 $0xC3800, s3;
	[dreg:$0xd] =	wrdreg s30  }
0x10: {  	s24 =	simm.s32 $0x1;
	s25 =	simm.s32 $0x2;
	s5 =	sshll.u32 s2, $0x7  }
0x11: {  	s6 =	sshrl.u32 s1, $0x1;
	s23 =	sshll.u32 s2, $0xE;
	s2 =	simm.s32 $0x1D400  }
0x12: {  	s5 =	sand.u32 $0x380, s5;
	s21 =	ssub.s32 s1, s6;
	[dreg:$0x7] =	wrdreg s23  }
0x13: {  	s6 =	simm.s32 $0x1C880;
	s23 =	simm.s32 $0x1D680;
	s1 =	simm.s32 $0x0  }
0x14: {  	[dreg:$0x4] =	wrdreg s5;
	s22 =	sor.u32 s5, s3;
	s0 =	smax.u32 s21, $0x1  }
0x15: {  	s3 =	simm.s32 $0x1C780;
	s5 =	simm.s32 $0x1D380;
	[dreg:$0x6] =	wrdreg s22  }
0x16: {  	s21 =	simm.s32 $0x1D480;
	[dreg:$0xe] =	wrdreg s0;
	s22 =	simm.s32 $0x1D580  }
.LBB2_1:
0x17: {  	[dreg:$0xf] =	wrdreg s1;
	s26 =	simm.s32 $0x0  }
.LBB2_2:
0x18: {  	s28 =	smul.u32 $0x30E000, s26  }
0x19: {  	s0 =	rddreg [dreg:$0x6]  }
0x1a: {  	s28 =	sadd.s32 s0, s28  }
0x1b: {  	s15 =	rddreg [dreg:$0x1];
	s28 =	sshrl.u32 s28, $0x3  }
0x1c: {  	s30 =	simm.s32 $0x80;
	s1 =	simm.s32 $0x400;
	s28 =	sadd.s32 s15, s28  }
0x1d: {  	[tilespmem:s18], [sflag:$0x3] =	stream.strided.gather [hbm4b:s28+s30], $0x18700, s1, s30, $0x38;
	[tilespmem:$0x1D700] =	vst v63  }
0x1e: {  	s28 =	sshll.u32 s26, $0xB;
	s1 =	rddreg [dreg:$0x5]  }
0x1f: {  	s15 =	simm.s32 $0x4;
	s28 =	sadd.s32 s1, s28  }
0x20: {  	[tilespmem:s4], [sflag:$0x4] =	stream.linear.gather [hbm4b:s28+s4], $0x4000, $0x38;
	[tilespmem:$0x1D700] =	vst v63  }
0x21: {  	_ =	swait.ge [sflag:s15], $0x4000  }
0x22: {  	[sflag:s15] =	ssyncset.done $0x0  }
0x23: {  	s30 =	simm.s32 $0x3;
	[sflag:s15] =	ssyncadd.s32 $0xFFFFC000  }
0x24: {  	_ =	swait.ge [sflag:s30], $0x18700  }
0x25: {  	p0 =	seq.s32 s26, $0x0;
	[sflag:s30] =	ssyncset.done $0x0  }
0x26: {  	s28 =	simm.s32 @!p0 $0x1;
	[sflag:s30] =	ssyncadd.s32 $0xFFFE7900  }
0x27: {  	_ =	swait.ge @!p0 [sflag:s28], $0x800  }
0x28: {  	[sflag:s28] =	ssyncset.done @!p0 $0x0  }
0x29: {  	s29 =	simm.s32 $0x40;
	[sflag:s28] =	ssyncadd.s32 @!p0 $0xFFFFF800;
	s28 =	simm.s32 $0x0  }
.LBB2_3:
0x2a: {  	v0 =	vld [tilespmem:s29+$0xFFFFFFC0];
	_ =	sdelay $0x7  }
0x2b: {  	v0 =	vld.idx.msk [tilespmem:v0+s18+$0x0], $0xffff;
	_ =	sdelay $0x3  }
0x2c: {  	s30 =	sshra.s32 s28, $0x2  }
0x2d: {  	[tilespmem:s30+$0x1C700] =	vst v0  }
0x2e: {  	v0 =	vld [tilespmem:s29+$0xFFFFFFD0];
	_ =	sdelay $0x7  }
0x2f: {  	v0 =	vld.idx.msk [tilespmem:v0+s18+$0x0], $0xffff;
	_ =	sdelay $0x4  }
0x30: {  	[tilespmem:s30+$0x1C710] =	vst v0  }
0x31: {  	v0 =	vld [tilespmem:s29+$0xFFFFFFE0];
	_ =	sdelay $0x7  }
0x32: {  	v0 =	vld.idx.msk [tilespmem:v0+s18+$0x0], $0xffff;
	_ =	sdelay $0x4  }
0x33: {  	[tilespmem:s30+$0x1C720] =	vst v0  }
0x34: {  	v0 =	vld [tilespmem:s29+$0xFFFFFFF0];
	_ =	sdelay $0x7  }
0x35: {  	v0 =	vld.idx.msk [tilespmem:v0+s18+$0x0], $0xffff;
	_ =	sdelay $0x4  }
0x36: {  	[tilespmem:s30+$0x1C730] =	vst v0  }
0x37: {  	v0 =	vld [tilespmem:s29+$0x0];
	_ =	sdelay $0x7  }
0x38: {  	v0 =	vld.idx.msk [tilespmem:v0+s18+$0x0], $0xffff;
	_ =	sdelay $0x4  }
0x39: {  	[tilespmem:s30+$0x1C740] =	vst v0  }
0x3a: {  	v0 =	vld [tilespmem:s29+$0x10];
	_ =	sdelay $0x7  }
0x3b: {  	v0 =	vld.idx.msk [tilespmem:v0+s18+$0x0], $0xffff;
	_ =	sdelay $0x4  }
0x3c: {  	[tilespmem:s30+$0x1C750] =	vst v0  }
0x3d: {  	v0 =	vld [tilespmem:s29+$0x20];
	_ =	sdelay $0x7  }
0x3e: {  	v0 =	vld.idx.msk [tilespmem:v0+s18+$0x0], $0xffff;
	_ =	sdelay $0x4  }
0x3f: {  	[tilespmem:s30+$0x1C760] =	vst v0  }
0x40: {  	v0 =	vld [tilespmem:s29+$0x30];
	_ =	sdelay $0x7  }
0x41: {  	p1 =	sne.s32 s28, $0x3C00;
	v0 =	vld.idx.msk [tilespmem:v0+s18+$0x0], $0xffff  }
.Ltmp0:
0x42: {  	_ = 	snop;
	(pc) =	sbr.rel @p1 .LBB2_3-.Ltmp0, $2  }
0x43: {  	_ =	sdelay $0x2  }
0x44: {  	s28 =	sadd.s32 $0x400, s28;
	s29 =	sadd.s32 $0x80, s29;
	[tilespmem:s30+$0x1C770] =	vst v0  }
0x45: {  	s28 =	sshll.u32 s26, $0x13;
	s0 =	rddreg [dreg:$0x7]  }
0x46: {  	s28 =	sor.u32 s0, s28  }
0x47: {  	s1 =	rddreg [dreg:$0x4];
	s29 =	sand.u32 $0xFE0000, s28  }
0x48: {  	s29 =	sor.u32 s1, s29  }
0x49: {  	s29 =	sshrl.u32 s29, $0x3  }
0x4a: {  	s15 =	simm.s32 $0x1C700;
	s30 =	sadd.s32 s31, s29  }
0x4b: {  	[hbm4b:s30+s4] =	stream.linear.scatter [tilespmem:s15], [sflag:$0x1], $0x80, $0x38;
	[tilespmem:$0x1D700] =	vst v63  }
0x4c: {  	s1 =	smov.u32 s31;
	s31 =	sadd.s32 $0x80, s30;
	s15 =	simm.s32 $0x1C800  }
0x4d: {  	[hbm4b:s31+s4] =	stream.linear.scatter [tilespmem:s15], [sflag:$0x1], $0x80, $0x38;
	[tilespmem:$0x1D700] =	vst v63  }
0x4e: {  	s31 =	sadd.s32 $0x100, s30;
	s15 =	simm.s32 $0x1C900  }
0x4f: {  	[hbm4b:s31+s4] =	stream.linear.scatter [tilespmem:s15], [sflag:$0x1], $0x80, $0x38;
	[tilespmem:$0x1D700] =	vst v63  }
0x50: {  	s31 =	sadd.s32 $0x180, s30;
	s15 =	simm.s32 $0x1CA00  }
0x51: {  	[hbm4b:s31+s4] =	stream.linear.scatter [tilespmem:s15], [sflag:$0x1], $0x80, $0x38;
	[tilespmem:$0x1D700] =	vst v63  }
0x52: {  	s31 =	sadd.s32 $0x200, s30;
	s15 =	simm.s32 $0x1CB00  }
0x53: {  	[hbm4b:s31+s4] =	stream.linear.scatter [tilespmem:s15], [sflag:$0x1], $0x80, $0x38;
	[tilespmem:$0x1D700] =	vst v63  }
0x54: {  	s31 =	sadd.s32 $0x280, s30;
	s15 =	simm.s32 $0x1CC00  }
0x55: {  	[hbm4b:s31+s4] =	stream.linear.scatter [tilespmem:s15], [sflag:$0x1], $0x80, $0x38;
	[tilespmem:$0x1D700] =	vst v63  }
0x56: {  	s31 =	sadd.s32 $0x300, s30;
	s15 =	simm.s32 $0x1CD00  }
0x57: {  	[hbm4b:s31+s4] =	stream.linear.scatter [tilespmem:s15], [sflag:$0x1], $0x80, $0x38;
	[tilespmem:$0x1D700] =	vst v63  }
0x58: {  	s31 =	sadd.s32 $0x380, s30;
	s15 =	simm.s32 $0x1CE00  }
0x59: {  	[hbm4b:s31+s4] =	stream.linear.scatter [tilespmem:s15], [sflag:$0x1], $0x80, $0x38;
	[tilespmem:$0x1D700] =	vst v63  }
0x5a: {  	s31 =	sadd.s32 $0x400, s30;
	s15 =	simm.s32 $0x1CF00  }
0x5b: {  	[hbm4b:s31+s4] =	stream.linear.scatter [tilespmem:s15], [sflag:$0x1], $0x80, $0x38;
	[tilespmem:$0x1D700] =	vst v63  }
0x5c: {  	s31 =	sadd.s32 $0x480, s30;
	s15 =	simm.s32 $0x1D000  }
0x5d: {  	[hbm4b:s31+s4] =	stream.linear.scatter [tilespmem:s15], [sflag:$0x1], $0x80, $0x38;
	[tilespmem:$0x1D700] =	vst v63  }
0x5e: {  	s31 =	sadd.s32 $0x500, s30;
	s15 =	simm.s32 $0x1D100  }
0x5f: {  	[hbm4b:s31+s4] =	stream.linear.scatter [tilespmem:s15], [sflag:$0x1], $0x80, $0x38;
	[tilespmem:$0x1D700] =	vst v63  }
0x60: {  	s31 =	sadd.s32 $0x580, s30;
	s15 =	simm.s32 $0x1D200  }
0x61: {  	[hbm4b:s31+s4] =	stream.linear.scatter [tilespmem:s15], [sflag:$0x1], $0x80, $0x38;
	[tilespmem:$0x1D700] =	vst v63  }
0x62: {  	s31 =	sadd.s32 $0x600, s30;
	s15 =	simm.s32 $0x1D300  }
0x63: {  	[hbm4b:s31+s4] =	stream.linear.scatter [tilespmem:s15], [sflag:$0x1], $0x80, $0x38;
	[tilespmem:$0x1D700] =	vst v63  }
0x64: {  	s31 =	sadd.s32 $0x680, s30  }
0x65: {  	[hbm4b:s31+s4] =	stream.linear.scatter [tilespmem:s2], [sflag:$0x1], $0x80, $0x38;
	[tilespmem:$0x1D700] =	vst v63  }
0x66: {  	s31 =	sadd.s32 $0x700, s30  }
0x67: {  	[hbm4b:s31+s4] =	stream.linear.scatter [tilespmem:s16], [sflag:$0x1], $0x80, $0x38;
	[tilespmem:$0x1D700] =	vst v63  }
0x68: {  	s30 =	sadd.s32 $0x780, s30  }
0x69: {  	[hbm4b:s30+s4] =	stream.linear.scatter [tilespmem:s17], [sflag:$0x1], $0x80, $0x38;
	[tilespmem:$0x1D700] =	vst v63  }
0x6a: {  	s30 =	simm.s32 @!p0 $0x2  }
0x6b: {  	_ =	swait.ge @!p0 [sflag:s30], $0x800  }
0x6c: {  	[sflag:s30] =	ssyncset.done @!p0 $0x0  }
0x6d: {  	s31 =	simm.s32 $0x1C7F0;
	[sflag:s30] =	ssyncadd.s32 @!p0 $0xFFFFF800;
	s30 =	simm.s32 $0x0  }
.LBB2_5:
0x6e: {  	s0 =	sshra.s32 s30, $0x2  }
0x6f: {  	v0 =	vld [tilespmem:s0+$0x800];
	_ =	sdelay $0x7  }
0x70: {  	v0 =	vld.idx.msk [tilespmem:v0+s18+$0x0], $0xffff;
	_ =	sdelay $0x4  }
0x71: {  	[tilespmem:s31+$0xFFFFFF90] =	vst v0  }
0x72: {  	v0 =	vld [tilespmem:s0+$0x810];
	_ =	sdelay $0x7  }
0x73: {  	v0 =	vld.idx.msk [tilespmem:v0+s18+$0x0], $0xffff;
	_ =	sdelay $0x4  }
0x74: {  	[tilespmem:s31+$0xFFFFFFA0] =	vst v0  }
0x75: {  	v0 =	vld [tilespmem:s0+$0x820];
	_ =	sdelay $0x7  }
0x76: {  	v0 =	vld.idx.msk [tilespmem:v0+s18+$0x0], $0xffff;
	_ =	sdelay $0x4  }
0x77: {  	[tilespmem:s31+$0xFFFFFFB0] =	vst v0  }
0x78: {  	v0 =	vld [tilespmem:s0+$0x830];
	_ =	sdelay $0x7  }
0x79: {  	v0 =	vld.idx.msk [tilespmem:v0+s18+$0x0], $0xffff;
	_ =	sdelay $0x4  }
0x7a: {  	[tilespmem:s31+$0xFFFFFFC0] =	vst v0  }
0x7b: {  	v0 =	vld [tilespmem:s0+$0x840];
	_ =	sdelay $0x7  }
0x7c: {  	v0 =	vld.idx.msk [tilespmem:v0+s18+$0x0], $0xffff;
	_ =	sdelay $0x4  }
0x7d: {  	[tilespmem:s31+$0xFFFFFFD0] =	vst v0  }
0x7e: {  	v0 =	vld [tilespmem:s0+$0x850];
	_ =	sdelay $0x7  }
0x7f: {  	v0 =	vld.idx.msk [tilespmem:v0+s18+$0x0], $0xffff;
	_ =	sdelay $0x4  }
0x80: {  	[tilespmem:s31+$0xFFFFFFE0] =	vst v0  }
0x81: {  	v0 =	vld [tilespmem:s0+$0x860];
	_ =	sdelay $0x7  }
0x82: {  	v0 =	vld.idx.msk [tilespmem:v0+s18+$0x0], $0xffff;
	_ =	sdelay $0x4  }
0x83: {  	[tilespmem:s31+$0xFFFFFFF0] =	vst v0  }
0x84: {  	v0 =	vld [tilespmem:s0+$0x870];
	_ =	sdelay $0x7  }
0x85: {  	p0 =	sne.s32 s30, $0x1E00;
	v0 =	vld.idx.msk [tilespmem:v0+s18+$0x0], $0xffff  }
.Ltmp1:
0x86: {  	_ = 	snop;
	(pc) =	sbr.rel @p0 .LBB2_5-.Ltmp1, $2  }
0x87: {  	_ =	sdelay $0x2  }
0x88: {  	s30 =	sadd.s32 $0x200, s30;
	[tilespmem:s31+$0x0] =	vst v0;
	s31 =	sadd.s32 $0x100, s31  }
0x89: {  	s0 =	rddreg [dreg:$0x8]  }
0x8a: {  	s30 =	simm.s32 $0x0;
	s0 =	sadd.s32 s29, s0  }
0x8b: {  	[hbm4b:s0+s30] =	stream.linear.scatter [tilespmem:s3], [sflag:$0x2], $0x80, $0x38;
	[tilespmem:$0x1D700] =	vst v63  }
0x8c: {  	s31 =	sadd.s32 $0x80, s0  }
0x8d: {  	[hbm4b:s31+s30] =	stream.linear.scatter [tilespmem:s6], [sflag:$0x2], $0x80, $0x38;
	[tilespmem:$0x1D700] =	vst v63  }
0x8e: {  	s31 =	sadd.s32 $0x100, s0  }
0x8f: {  	[hbm4b:s31+s30] =	stream.linear.scatter [tilespmem:s7], [sflag:$0x2], $0x80, $0x38;
	[tilespmem:$0x1D700] =	vst v63  }
0x90: {  	s31 =	sadd.s32 $0x180, s0  }
0x91: {  	[hbm4b:s31+s30] =	stream.linear.scatter [tilespmem:s8], [sflag:$0x2], $0x80, $0x38;
	[tilespmem:$0x1D700] =	vst v63  }
0x92: {  	s31 =	sadd.s32 $0x200, s0  }
0x93: {  	[hbm4b:s31+s30] =	stream.linear.scatter [tilespmem:s9], [sflag:$0x2], $0x80, $0x38;
	[tilespmem:$0x1D700] =	vst v63  }
0x94: {  	s31 =	sadd.s32 $0x280, s0  }
0x95: {  	[hbm4b:s31+s30] =	stream.linear.scatter [tilespmem:s10], [sflag:$0x2], $0x80, $0x38;
	[tilespmem:$0x1D700] =	vst v63  }
0x96: {  	s31 =	sadd.s32 $0x300, s0  }
0x97: {  	[hbm4b:s31+s30] =	stream.linear.scatter [tilespmem:s11], [sflag:$0x2], $0x80, $0x38;
	[tilespmem:$0x1D700] =	vst v63  }
0x98: {  	s31 =	sadd.s32 $0x380, s0  }
0x99: {  	[hbm4b:s31+s30] =	stream.linear.scatter [tilespmem:s12], [sflag:$0x2], $0x80, $0x38;
	[tilespmem:$0x1D700] =	vst v63  }
0x9a: {  	s31 =	sadd.s32 $0x400, s0  }
0x9b: {  	[hbm4b:s31+s30] =	stream.linear.scatter [tilespmem:s13], [sflag:$0x2], $0x80, $0x38;
	[tilespmem:$0x1D700] =	vst v63  }
0x9c: {  	s31 =	sadd.s32 $0x480, s0  }
0x9d: {  	[hbm4b:s31+s30] =	stream.linear.scatter [tilespmem:s14], [sflag:$0x2], $0x80, $0x38;
	[tilespmem:$0x1D700] =	vst v63  }
0x9e: {  	s31 =	sadd.s32 $0x500, s0  }
0x9f: {  	[hbm4b:s31+s30] =	stream.linear.scatter [tilespmem:s19], [sflag:$0x2], $0x80, $0x38;
	[tilespmem:$0x1D700] =	vst v63  }
0xa0: {  	s31 =	sadd.s32 $0x580, s0  }
0xa1: {  	[hbm4b:s31+s30] =	stream.linear.scatter [tilespmem:s20], [sflag:$0x2], $0x80, $0x38;
	[tilespmem:$0x1D700] =	vst v63  }
0xa2: {  	s31 =	sadd.s32 $0x600, s0  }
0xa3: {  	[hbm4b:s31+s30] =	stream.linear.scatter [tilespmem:s5], [sflag:$0x2], $0x80, $0x38;
	[tilespmem:$0x1D700] =	vst v63  }
0xa4: {  	s31 =	sadd.s32 $0x680, s0  }
0xa5: {  	[hbm4b:s31+s30] =	stream.linear.scatter [tilespmem:s21], [sflag:$0x2], $0x80, $0x38;
	[tilespmem:$0x1D700] =	vst v63  }
0xa6: {  	s31 =	sadd.s32 $0x700, s0  }
0xa7: {  	[hbm4b:s31+s30] =	stream.linear.scatter [tilespmem:s22], [sflag:$0x2], $0x80, $0x38;
	[tilespmem:$0x1D700] =	vst v63  }
0xa8: {  	s0 =	sadd.s32 $0x780, s0  }
0xa9: {  	[hbm4b:s0+s30] =	stream.linear.scatter [tilespmem:s23], [sflag:$0x2], $0x80, $0x38;
	[tilespmem:$0x1D700] =	vst v63  }
0xaa: {  	_ =	swait.ge [sflag:s24], $0x800  }
0xab: {  	[sflag:s24] =	ssyncset.done $0x0  }
0xac: {  	s31 =	simm.s32 $0x1070;
	[sflag:s24] =	ssyncadd.s32 $0xFFFFF800  }
.LBB2_7:
0xad: {  	v0 =	vld [tilespmem:s31+$0xFFFFFF90];
	_ =	sdelay $0x7  }
0xae: {  	v0 =	vld.idx.msk [tilespmem:v0+s18+$0x0], $0xffff;
	_ =	sdelay $0x3  }
0xaf: {  	s0 =	sshra.s32 s30, $0x2  }
0xb0: {  	[tilespmem:s0+$0x1C700] =	vst v0  }
0xb1: {  	v0 =	vld [tilespmem:s31+$0xFFFFFFA0];
	_ =	sdelay $0x7  }
0xb2: {  	v0 =	vld.idx.msk [tilespmem:v0+s18+$0x0], $0xffff;
	_ =	sdelay $0x4  }
0xb3: {  	[tilespmem:s0+$0x1C710] =	vst v0  }
0xb4: {  	v0 =	vld [tilespmem:s31+$0xFFFFFFB0];
	_ =	sdelay $0x7  }
0xb5: {  	v0 =	vld.idx.msk [tilespmem:v0+s18+$0x0], $0xffff;
	_ =	sdelay $0x4  }
0xb6: {  	[tilespmem:s0+$0x1C720] =	vst v0  }
0xb7: {  	v0 =	vld [tilespmem:s31+$0xFFFFFFC0];
	_ =	sdelay $0x7  }
0xb8: {  	v0 =	vld.idx.msk [tilespmem:v0+s18+$0x0], $0xffff;
	_ =	sdelay $0x4  }
0xb9: {  	[tilespmem:s0+$0x1C730] =	vst v0  }
0xba: {  	v0 =	vld [tilespmem:s31+$0xFFFFFFD0];
	_ =	sdelay $0x7  }
0xbb: {  	v0 =	vld.idx.msk [tilespmem:v0+s18+$0x0], $0xffff;
	_ =	sdelay $0x4  }
0xbc: {  	[tilespmem:s0+$0x1C740] =	vst v0  }
0xbd: {  	v0 =	vld [tilespmem:s31+$0xFFFFFFE0];
	_ =	sdelay $0x7  }
0xbe: {  	v0 =	vld.idx.msk [tilespmem:v0+s18+$0x0], $0xffff;
	_ =	sdelay $0x4  }
0xbf: {  	[tilespmem:s0+$0x1C750] =	vst v0  }
0xc0: {  	v0 =	vld [tilespmem:s31+$0xFFFFFFF0];
	_ =	sdelay $0x7  }
0xc1: {  	v0 =	vld.idx.msk [tilespmem:v0+s18+$0x0], $0xffff;
	_ =	sdelay $0x4  }
0xc2: {  	[tilespmem:s0+$0x1C760] =	vst v0  }
0xc3: {  	v0 =	vld [tilespmem:s31+$0x0];
	_ =	sdelay $0x7  }
0xc4: {  	p0 =	sne.s32 s30, $0x3C00;
	v0 =	vld.idx.msk [tilespmem:v0+s18+$0x0], $0xffff  }
.Ltmp2:
0xc5: {  	_ = 	snop;
	(pc) =	sbr.rel @p0 .LBB2_7-.Ltmp2, $2  }
0xc6: {  	_ =	sdelay $0x2  }
0xc7: {  	s30 =	sadd.s32 $0x400, s30;
	s31 =	sadd.s32 $0x80, s31;
	[tilespmem:s0+$0x1C770] =	vst v0  }
0xc8: {  	s0 =	rddreg [dreg:$0x9]  }
0xc9: {  	s30 =	simm.s32 $0x0;
	s31 =	simm.s32 $0x1C700;
	s0 =	sadd.s32 s29, s0  }
0xca: {  	[hbm4b:s0+s30] =	stream.linear.scatter [tilespmem:s31], [sflag:$0x1], $0x80, $0x38;
	[tilespmem:$0x1D700] =	vst v63  }
0xcb: {  	s15 =	simm.s32 $0x1C800;
	s31 =	sadd.s32 $0x80, s0  }
0xcc: {  	[hbm4b:s31+s30] =	stream.linear.scatter [tilespmem:s15], [sflag:$0x1], $0x80, $0x38;
	[tilespmem:$0x1D700] =	vst v63  }
0xcd: {  	s31 =	sadd.s32 $0x100, s0;
	s15 =	simm.s32 $0x1C900  }
0xce: {  	[hbm4b:s31+s30] =	stream.linear.scatter [tilespmem:s15], [sflag:$0x1], $0x80, $0x38;
	[tilespmem:$0x1D700] =	vst v63  }
0xcf: {  	s31 =	sadd.s32 $0x180, s0;
	s15 =	simm.s32 $0x1CA00  }
0xd0: {  	[hbm4b:s31+s30] =	stream.linear.scatter [tilespmem:s15], [sflag:$0x1], $0x80, $0x38;
	[tilespmem:$0x1D700] =	vst v63  }
0xd1: {  	s31 =	sadd.s32 $0x200, s0;
	s15 =	simm.s32 $0x1CB00  }
0xd2: {  	[hbm4b:s31+s30] =	stream.linear.scatter [tilespmem:s15], [sflag:$0x1], $0x80, $0x38;
	[tilespmem:$0x1D700] =	vst v63  }
0xd3: {  	s31 =	sadd.s32 $0x280, s0;
	s15 =	simm.s32 $0x1CC00  }
0xd4: {  	[hbm4b:s31+s30] =	stream.linear.scatter [tilespmem:s15], [sflag:$0x1], $0x80, $0x38;
	[tilespmem:$0x1D700] =	vst v63  }
0xd5: {  	s31 =	sadd.s32 $0x300, s0;
	s15 =	simm.s32 $0x1CD00  }
0xd6: {  	[hbm4b:s31+s30] =	stream.linear.scatter [tilespmem:s15], [sflag:$0x1], $0x80, $0x38;
	[tilespmem:$0x1D700] =	vst v63  }
0xd7: {  	s31 =	sadd.s32 $0x380, s0;
	s15 =	simm.s32 $0x1CE00  }
0xd8: {  	[hbm4b:s31+s30] =	stream.linear.scatter [tilespmem:s15], [sflag:$0x1], $0x80, $0x38;
	[tilespmem:$0x1D700] =	vst v63  }
0xd9: {  	s31 =	sadd.s32 $0x400, s0;
	s15 =	simm.s32 $0x1CF00  }
0xda: {  	[hbm4b:s31+s30] =	stream.linear.scatter [tilespmem:s15], [sflag:$0x1], $0x80, $0x38;
	[tilespmem:$0x1D700] =	vst v63  }
0xdb: {  	s31 =	sadd.s32 $0x480, s0;
	s15 =	simm.s32 $0x1D000  }
0xdc: {  	[hbm4b:s31+s30] =	stream.linear.scatter [tilespmem:s15], [sflag:$0x1], $0x80, $0x38;
	[tilespmem:$0x1D700] =	vst v63  }
0xdd: {  	s31 =	sadd.s32 $0x500, s0;
	s15 =	simm.s32 $0x1D100  }
0xde: {  	[hbm4b:s31+s30] =	stream.linear.scatter [tilespmem:s15], [sflag:$0x1], $0x80, $0x38;
	[tilespmem:$0x1D700] =	vst v63  }
0xdf: {  	s31 =	sadd.s32 $0x580, s0;
	s15 =	simm.s32 $0x1D200  }
0xe0: {  	[hbm4b:s31+s30] =	stream.linear.scatter [tilespmem:s15], [sflag:$0x1], $0x80, $0x38;
	[tilespmem:$0x1D700] =	vst v63  }
0xe1: {  	s31 =	sadd.s32 $0x600, s0;
	s15 =	simm.s32 $0x1D300  }
0xe2: {  	[hbm4b:s31+s30] =	stream.linear.scatter [tilespmem:s15], [sflag:$0x1], $0x80, $0x38;
	[tilespmem:$0x1D700] =	vst v63  }
0xe3: {  	s31 =	sadd.s32 $0x680, s0  }
0xe4: {  	[hbm4b:s31+s30] =	stream.linear.scatter [tilespmem:s2], [sflag:$0x1], $0x80, $0x38;
	[tilespmem:$0x1D700] =	vst v63  }
0xe5: {  	s31 =	sadd.s32 $0x700, s0  }
0xe6: {  	[hbm4b:s31+s30] =	stream.linear.scatter [tilespmem:s16], [sflag:$0x1], $0x80, $0x38;
	[tilespmem:$0x1D700] =	vst v63  }
0xe7: {  	s0 =	sadd.s32 $0x780, s0  }
0xe8: {  	[hbm4b:s0+s30] =	stream.linear.scatter [tilespmem:s17], [sflag:$0x1], $0x80, $0x38;
	[tilespmem:$0x1D700] =	vst v63  }
0xe9: {  	_ =	swait.ge [sflag:s25], $0x800  }
0xea: {  	[sflag:s25] =	ssyncset.done $0x0  }
0xeb: {  	s31 =	simm.s32 $0x1C7F0;
	[sflag:s25] =	ssyncadd.s32 $0xFFFFF800  }
.LBB2_9:
0xec: {  	s0 =	sshra.s32 s30, $0x2  }
0xed: {  	v0 =	vld [tilespmem:s0+$0x1800];
	_ =	sdelay $0x7  }
0xee: {  	v0 =	vld.idx.msk [tilespmem:v0+s18+$0x0], $0xffff;
	_ =	sdelay $0x4  }
0xef: {  	[tilespmem:s31+$0xFFFFFF90] =	vst v0  }
0xf0: {  	v0 =	vld [tilespmem:s0+$0x1810];
	_ =	sdelay $0x7  }
0xf1: {  	v0 =	vld.idx.msk [tilespmem:v0+s18+$0x0], $0xffff;
	_ =	sdelay $0x4  }
0xf2: {  	[tilespmem:s31+$0xFFFFFFA0] =	vst v0  }
0xf3: {  	v0 =	vld [tilespmem:s0+$0x1820];
	_ =	sdelay $0x7  }
0xf4: {  	v0 =	vld.idx.msk [tilespmem:v0+s18+$0x0], $0xffff;
	_ =	sdelay $0x4  }
0xf5: {  	[tilespmem:s31+$0xFFFFFFB0] =	vst v0  }
0xf6: {  	v0 =	vld [tilespmem:s0+$0x1830];
	_ =	sdelay $0x7  }
0xf7: {  	v0 =	vld.idx.msk [tilespmem:v0+s18+$0x0], $0xffff;
	_ =	sdelay $0x4  }
0xf8: {  	[tilespmem:s31+$0xFFFFFFC0] =	vst v0  }
0xf9: {  	v0 =	vld [tilespmem:s0+$0x1840];
	_ =	sdelay $0x7  }
0xfa: {  	v0 =	vld.idx.msk [tilespmem:v0+s18+$0x0], $0xffff;
	_ =	sdelay $0x4  }
0xfb: {  	[tilespmem:s31+$0xFFFFFFD0] =	vst v0  }
0xfc: {  	v0 =	vld [tilespmem:s0+$0x1850];
	_ =	sdelay $0x7  }
0xfd: {  	v0 =	vld.idx.msk [tilespmem:v0+s18+$0x0], $0xffff;
	_ =	sdelay $0x4  }
0xfe: {  	[tilespmem:s31+$0xFFFFFFE0] =	vst v0  }
0xff: {  	v0 =	vld [tilespmem:s0+$0x1860];
	_ =	sdelay $0x7  }
0x100: {  	v0 =	vld.idx.msk [tilespmem:v0+s18+$0x0], $0xffff;
	_ =	sdelay $0x4  }
0x101: {  	[tilespmem:s31+$0xFFFFFFF0] =	vst v0  }
0x102: {  	v0 =	vld [tilespmem:s0+$0x1870];
	_ =	sdelay $0x7  }
0x103: {  	p0 =	sne.s32 s30, $0x1E00;
	v0 =	vld.idx.msk [tilespmem:v0+s18+$0x0], $0xffff  }
.Ltmp3:
0x104: {  	_ = 	snop;
	(pc) =	sbr.rel @p0 .LBB2_9-.Ltmp3, $2  }
0x105: {  	_ =	sdelay $0x2  }
0x106: {  	s30 =	sadd.s32 $0x200, s30;
	[tilespmem:s31+$0x0] =	vst v0;
	s31 =	sadd.s32 $0x100, s31  }
0x107: {  	s0 =	rddreg [dreg:$0xa]  }
0x108: {  	s30 =	simm.s32 $0x0;
	s0 =	sadd.s32 s29, s0  }
0x109: {  	[hbm4b:s0+s30] =	stream.linear.scatter [tilespmem:s3], [sflag:$0x2], $0x80, $0x38;
	[tilespmem:$0x1D700] =	vst v63  }
0x10a: {  	s31 =	sadd.s32 $0x80, s0  }
0x10b: {  	[hbm4b:s31+s30] =	stream.linear.scatter [tilespmem:s6], [sflag:$0x2], $0x80, $0x38;
	[tilespmem:$0x1D700] =	vst v63  }
0x10c: {  	s31 =	sadd.s32 $0x100, s0  }
0x10d: {  	[hbm4b:s31+s30] =	stream.linear.scatter [tilespmem:s7], [sflag:$0x2], $0x80, $0x38;
	[tilespmem:$0x1D700] =	vst v63  }
0x10e: {  	s31 =	sadd.s32 $0x180, s0  }
0x10f: {  	[hbm4b:s31+s30] =	stream.linear.scatter [tilespmem:s8], [sflag:$0x2], $0x80, $0x38;
	[tilespmem:$0x1D700] =	vst v63  }
0x110: {  	s31 =	sadd.s32 $0x200, s0  }
0x111: {  	[hbm4b:s31+s30] =	stream.linear.scatter [tilespmem:s9], [sflag:$0x2], $0x80, $0x38;
	[tilespmem:$0x1D700] =	vst v63  }
0x112: {  	s31 =	sadd.s32 $0x280, s0  }
0x113: {  	[hbm4b:s31+s30] =	stream.linear.scatter [tilespmem:s10], [sflag:$0x2], $0x80, $0x38;
	[tilespmem:$0x1D700] =	vst v63  }
0x114: {  	s31 =	sadd.s32 $0x300, s0  }
0x115: {  	[hbm4b:s31+s30] =	stream.linear.scatter [tilespmem:s11], [sflag:$0x2], $0x80, $0x38;
	[tilespmem:$0x1D700] =	vst v63  }
0x116: {  	s31 =	sadd.s32 $0x380, s0  }
0x117: {  	[hbm4b:s31+s30] =	stream.linear.scatter [tilespmem:s12], [sflag:$0x2], $0x80, $0x38;
	[tilespmem:$0x1D700] =	vst v63  }
0x118: {  	s31 =	sadd.s32 $0x400, s0  }
0x119: {  	[hbm4b:s31+s30] =	stream.linear.scatter [tilespmem:s13], [sflag:$0x2], $0x80, $0x38;
	[tilespmem:$0x1D700] =	vst v63  }
0x11a: {  	s31 =	sadd.s32 $0x480, s0  }
0x11b: {  	[hbm4b:s31+s30] =	stream.linear.scatter [tilespmem:s14], [sflag:$0x2], $0x80, $0x38;
	[tilespmem:$0x1D700] =	vst v63  }
0x11c: {  	s31 =	sadd.s32 $0x500, s0  }
0x11d: {  	[hbm4b:s31+s30] =	stream.linear.scatter [tilespmem:s19], [sflag:$0x2], $0x80, $0x38;
	[tilespmem:$0x1D700] =	vst v63  }
0x11e: {  	s31 =	sadd.s32 $0x580, s0  }
0x11f: {  	[hbm4b:s31+s30] =	stream.linear.scatter [tilespmem:s20], [sflag:$0x2], $0x80, $0x38;
	[tilespmem:$0x1D700] =	vst v63  }
0x120: {  	s31 =	sadd.s32 $0x600, s0  }
0x121: {  	[hbm4b:s31+s30] =	stream.linear.scatter [tilespmem:s5], [sflag:$0x2], $0x80, $0x38;
	[tilespmem:$0x1D700] =	vst v63  }
0x122: {  	s31 =	sadd.s32 $0x680, s0  }
0x123: {  	[hbm4b:s31+s30] =	stream.linear.scatter [tilespmem:s21], [sflag:$0x2], $0x80, $0x38;
	[tilespmem:$0x1D700] =	vst v63  }
0x124: {  	s31 =	sadd.s32 $0x700, s0  }
0x125: {  	[hbm4b:s31+s30] =	stream.linear.scatter [tilespmem:s22], [sflag:$0x2], $0x80, $0x38;
	[tilespmem:$0x1D700] =	vst v63  }
0x126: {  	s0 =	sadd.s32 $0x780, s0  }
0x127: {  	[hbm4b:s0+s30] =	stream.linear.scatter [tilespmem:s23], [sflag:$0x2], $0x80, $0x38;
	[tilespmem:$0x1D700] =	vst v63  }
0x128: {  	_ =	swait.ge [sflag:s24], $0x800  }
0x129: {  	[sflag:s24] =	ssyncset.done $0x0  }
0x12a: {  	s31 =	simm.s32 $0x2070;
	[sflag:s24] =	ssyncadd.s32 $0xFFFFF800  }
.LBB2_11:
0x12b: {  	v0 =	vld [tilespmem:s31+$0xFFFFFF90];
	_ =	sdelay $0x7  }
0x12c: {  	v0 =	vld.idx.msk [tilespmem:v0+s18+$0x0], $0xffff;
	_ =	sdelay $0x3  }
0x12d: {  	s0 =	sshra.s32 s30, $0x2  }
0x12e: {  	[tilespmem:s0+$0x1C700] =	vst v0  }
0x12f: {  	v0 =	vld [tilespmem:s31+$0xFFFFFFA0];
	_ =	sdelay $0x7  }
0x130: {  	v0 =	vld.idx.msk [tilespmem:v0+s18+$0x0], $0xffff;
	_ =	sdelay $0x4  }
0x131: {  	[tilespmem:s0+$0x1C710] =	vst v0  }
0x132: {  	v0 =	vld [tilespmem:s31+$0xFFFFFFB0];
	_ =	sdelay $0x7  }
0x133: {  	v0 =	vld.idx.msk [tilespmem:v0+s18+$0x0], $0xffff;
	_ =	sdelay $0x4  }
0x134: {  	[tilespmem:s0+$0x1C720] =	vst v0  }
0x135: {  	v0 =	vld [tilespmem:s31+$0xFFFFFFC0];
	_ =	sdelay $0x7  }
0x136: {  	v0 =	vld.idx.msk [tilespmem:v0+s18+$0x0], $0xffff;
	_ =	sdelay $0x4  }
0x137: {  	[tilespmem:s0+$0x1C730] =	vst v0  }
0x138: {  	v0 =	vld [tilespmem:s31+$0xFFFFFFD0];
	_ =	sdelay $0x7  }
0x139: {  	v0 =	vld.idx.msk [tilespmem:v0+s18+$0x0], $0xffff;
	_ =	sdelay $0x4  }
0x13a: {  	[tilespmem:s0+$0x1C740] =	vst v0  }
0x13b: {  	v0 =	vld [tilespmem:s31+$0xFFFFFFE0];
	_ =	sdelay $0x7  }
0x13c: {  	v0 =	vld.idx.msk [tilespmem:v0+s18+$0x0], $0xffff;
	_ =	sdelay $0x4  }
0x13d: {  	[tilespmem:s0+$0x1C750] =	vst v0  }
0x13e: {  	v0 =	vld [tilespmem:s31+$0xFFFFFFF0];
	_ =	sdelay $0x7  }
0x13f: {  	v0 =	vld.idx.msk [tilespmem:v0+s18+$0x0], $0xffff;
	_ =	sdelay $0x4  }
0x140: {  	[tilespmem:s0+$0x1C760] =	vst v0  }
0x141: {  	v0 =	vld [tilespmem:s31+$0x0];
	_ =	sdelay $0x7  }
0x142: {  	p0 =	sne.s32 s30, $0x3C00;
	v0 =	vld.idx.msk [tilespmem:v0+s18+$0x0], $0xffff  }
.Ltmp4:
0x143: {  	_ = 	snop;
	(pc) =	sbr.rel @p0 .LBB2_11-.Ltmp4, $2  }
0x144: {  	_ =	sdelay $0x2  }
0x145: {  	s30 =	sadd.s32 $0x400, s30;
	s31 =	sadd.s32 $0x80, s31;
	[tilespmem:s0+$0x1C770] =	vst v0  }
0x146: {  	s0 =	rddreg [dreg:$0xb]  }
0x147: {  	s30 =	simm.s32 $0x0;
	s31 =	simm.s32 $0x1C700;
	s0 =	sadd.s32 s29, s0  }
0x148: {  	[hbm4b:s0+s30] =	stream.linear.scatter [tilespmem:s31], [sflag:$0x1], $0x80, $0x38;
	[tilespmem:$0x1D700] =	vst v63  }
0x149: {  	s15 =	simm.s32 $0x1C800;
	s31 =	sadd.s32 $0x80, s0  }
0x14a: {  	[hbm4b:s31+s30] =	stream.linear.scatter [tilespmem:s15], [sflag:$0x1], $0x80, $0x38;
	[tilespmem:$0x1D700] =	vst v63  }
0x14b: {  	s31 =	sadd.s32 $0x100, s0;
	s15 =	simm.s32 $0x1C900  }
0x14c: {  	[hbm4b:s31+s30] =	stream.linear.scatter [tilespmem:s15], [sflag:$0x1], $0x80, $0x38;
	[tilespmem:$0x1D700] =	vst v63  }
0x14d: {  	s31 =	sadd.s32 $0x180, s0;
	s15 =	simm.s32 $0x1CA00  }
0x14e: {  	[hbm4b:s31+s30] =	stream.linear.scatter [tilespmem:s15], [sflag:$0x1], $0x80, $0x38;
	[tilespmem:$0x1D700] =	vst v63  }
0x14f: {  	s31 =	sadd.s32 $0x200, s0;
	s15 =	simm.s32 $0x1CB00  }
0x150: {  	[hbm4b:s31+s30] =	stream.linear.scatter [tilespmem:s15], [sflag:$0x1], $0x80, $0x38;
	[tilespmem:$0x1D700] =	vst v63  }
0x151: {  	s31 =	sadd.s32 $0x280, s0;
	s15 =	simm.s32 $0x1CC00  }
0x152: {  	[hbm4b:s31+s30] =	stream.linear.scatter [tilespmem:s15], [sflag:$0x1], $0x80, $0x38;
	[tilespmem:$0x1D700] =	vst v63  }
0x153: {  	s31 =	sadd.s32 $0x300, s0;
	s15 =	simm.s32 $0x1CD00  }
0x154: {  	[hbm4b:s31+s30] =	stream.linear.scatter [tilespmem:s15], [sflag:$0x1], $0x80, $0x38;
	[tilespmem:$0x1D700] =	vst v63  }
0x155: {  	s31 =	sadd.s32 $0x380, s0;
	s15 =	simm.s32 $0x1CE00  }
0x156: {  	[hbm4b:s31+s30] =	stream.linear.scatter [tilespmem:s15], [sflag:$0x1], $0x80, $0x38;
	[tilespmem:$0x1D700] =	vst v63  }
0x157: {  	s31 =	sadd.s32 $0x400, s0;
	s15 =	simm.s32 $0x1CF00  }
0x158: {  	[hbm4b:s31+s30] =	stream.linear.scatter [tilespmem:s15], [sflag:$0x1], $0x80, $0x38;
	[tilespmem:$0x1D700] =	vst v63  }
0x159: {  	s31 =	sadd.s32 $0x480, s0;
	s15 =	simm.s32 $0x1D000  }
0x15a: {  	[hbm4b:s31+s30] =	stream.linear.scatter [tilespmem:s15], [sflag:$0x1], $0x80, $0x38;
	[tilespmem:$0x1D700] =	vst v63  }
0x15b: {  	s31 =	sadd.s32 $0x500, s0;
	s15 =	simm.s32 $0x1D100  }
0x15c: {  	[hbm4b:s31+s30] =	stream.linear.scatter [tilespmem:s15], [sflag:$0x1], $0x80, $0x38;
	[tilespmem:$0x1D700] =	vst v63  }
0x15d: {  	s31 =	sadd.s32 $0x580, s0;
	s15 =	simm.s32 $0x1D200  }
0x15e: {  	[hbm4b:s31+s30] =	stream.linear.scatter [tilespmem:s15], [sflag:$0x1], $0x80, $0x38;
	[tilespmem:$0x1D700] =	vst v63  }
0x15f: {  	s31 =	sadd.s32 $0x600, s0;
	s15 =	simm.s32 $0x1D300  }
0x160: {  	[hbm4b:s31+s30] =	stream.linear.scatter [tilespmem:s15], [sflag:$0x1], $0x80, $0x38;
	[tilespmem:$0x1D700] =	vst v63  }
0x161: {  	s31 =	sadd.s32 $0x680, s0  }
0x162: {  	[hbm4b:s31+s30] =	stream.linear.scatter [tilespmem:s2], [sflag:$0x1], $0x80, $0x38;
	[tilespmem:$0x1D700] =	vst v63  }
0x163: {  	s31 =	sadd.s32 $0x700, s0  }
0x164: {  	[hbm4b:s31+s30] =	stream.linear.scatter [tilespmem:s16], [sflag:$0x1], $0x80, $0x38;
	[tilespmem:$0x1D700] =	vst v63  }
0x165: {  	s0 =	sadd.s32 $0x780, s0  }
0x166: {  	[hbm4b:s0+s30] =	stream.linear.scatter [tilespmem:s17], [sflag:$0x1], $0x80, $0x38;
	[tilespmem:$0x1D700] =	vst v63  }
0x167: {  	_ =	swait.ge [sflag:s25], $0x800  }
0x168: {  	[sflag:s25] =	ssyncset.done $0x0  }
0x169: {  	s31 =	simm.s32 $0x1C7F0;
	[sflag:s25] =	ssyncadd.s32 $0xFFFFF800  }
.LBB2_13:
0x16a: {  	s0 =	sshra.s32 s30, $0x2  }
0x16b: {  	v0 =	vld [tilespmem:s0+$0x2800];
	_ =	sdelay $0x7  }
0x16c: {  	v0 =	vld.idx.msk [tilespmem:v0+s18+$0x0], $0xffff;
	_ =	sdelay $0x4  }
0x16d: {  	[tilespmem:s31+$0xFFFFFF90] =	vst v0  }
0x16e: {  	v0 =	vld [tilespmem:s0+$0x2810];
	_ =	sdelay $0x7  }
0x16f: {  	v0 =	vld.idx.msk [tilespmem:v0+s18+$0x0], $0xffff;
	_ =	sdelay $0x4  }
0x170: {  	[tilespmem:s31+$0xFFFFFFA0] =	vst v0  }
0x171: {  	v0 =	vld [tilespmem:s0+$0x2820];
	_ =	sdelay $0x7  }
0x172: {  	v0 =	vld.idx.msk [tilespmem:v0+s18+$0x0], $0xffff;
	_ =	sdelay $0x4  }
0x173: {  	[tilespmem:s31+$0xFFFFFFB0] =	vst v0  }
0x174: {  	v0 =	vld [tilespmem:s0+$0x2830];
	_ =	sdelay $0x7  }
0x175: {  	v0 =	vld.idx.msk [tilespmem:v0+s18+$0x0], $0xffff;
	_ =	sdelay $0x4  }
0x176: {  	[tilespmem:s31+$0xFFFFFFC0] =	vst v0  }
0x177: {  	v0 =	vld [tilespmem:s0+$0x2840];
	_ =	sdelay $0x7  }
0x178: {  	v0 =	vld.idx.msk [tilespmem:v0+s18+$0x0], $0xffff;
	_ =	sdelay $0x4  }
0x179: {  	[tilespmem:s31+$0xFFFFFFD0] =	vst v0  }
0x17a: {  	v0 =	vld [tilespmem:s0+$0x2850];
	_ =	sdelay $0x7  }
0x17b: {  	v0 =	vld.idx.msk [tilespmem:v0+s18+$0x0], $0xffff;
	_ =	sdelay $0x4  }
0x17c: {  	[tilespmem:s31+$0xFFFFFFE0] =	vst v0  }
0x17d: {  	v0 =	vld [tilespmem:s0+$0x2860];
	_ =	sdelay $0x7  }
0x17e: {  	v0 =	vld.idx.msk [tilespmem:v0+s18+$0x0], $0xffff;
	_ =	sdelay $0x4  }
0x17f: {  	[tilespmem:s31+$0xFFFFFFF0] =	vst v0  }
0x180: {  	v0 =	vld [tilespmem:s0+$0x2870];
	_ =	sdelay $0x7  }
0x181: {  	p0 =	sne.s32 s30, $0x1E00;
	v0 =	vld.idx.msk [tilespmem:v0+s18+$0x0], $0xffff  }
.Ltmp5:
0x182: {  	_ = 	snop;
	(pc) =	sbr.rel @p0 .LBB2_13-.Ltmp5, $2  }
0x183: {  	_ =	sdelay $0x2  }
0x184: {  	s30 =	sadd.s32 $0x200, s30;
	[tilespmem:s31+$0x0] =	vst v0;
	s31 =	sadd.s32 $0x100, s31  }
0x185: {  	s0 =	rddreg [dreg:$0xc]  }
0x186: {  	s30 =	simm.s32 $0x0;
	s0 =	sadd.s32 s29, s0  }
0x187: {  	[hbm4b:s0+s30] =	stream.linear.scatter [tilespmem:s3], [sflag:$0x2], $0x80, $0x38;
	[tilespmem:$0x1D700] =	vst v63  }
0x188: {  	s31 =	sadd.s32 $0x80, s0  }
0x189: {  	[hbm4b:s31+s30] =	stream.linear.scatter [tilespmem:s6], [sflag:$0x2], $0x80, $0x38;
	[tilespmem:$0x1D700] =	vst v63  }
0x18a: {  	s31 =	sadd.s32 $0x100, s0  }
0x18b: {  	[hbm4b:s31+s30] =	stream.linear.scatter [tilespmem:s7], [sflag:$0x2], $0x80, $0x38;
	[tilespmem:$0x1D700] =	vst v63  }
0x18c: {  	s31 =	sadd.s32 $0x180, s0  }
0x18d: {  	[hbm4b:s31+s30] =	stream.linear.scatter [tilespmem:s8], [sflag:$0x2], $0x80, $0x38;
	[tilespmem:$0x1D700] =	vst v63  }
0x18e: {  	s31 =	sadd.s32 $0x200, s0  }
0x18f: {  	[hbm4b:s31+s30] =	stream.linear.scatter [tilespmem:s9], [sflag:$0x2], $0x80, $0x38;
	[tilespmem:$0x1D700] =	vst v63  }
0x190: {  	s31 =	sadd.s32 $0x280, s0  }
0x191: {  	[hbm4b:s31+s30] =	stream.linear.scatter [tilespmem:s10], [sflag:$0x2], $0x80, $0x38;
	[tilespmem:$0x1D700] =	vst v63  }
0x192: {  	s31 =	sadd.s32 $0x300, s0  }
0x193: {  	[hbm4b:s31+s30] =	stream.linear.scatter [tilespmem:s11], [sflag:$0x2], $0x80, $0x38;
	[tilespmem:$0x1D700] =	vst v63  }
0x194: {  	s31 =	sadd.s32 $0x380, s0  }
0x195: {  	[hbm4b:s31+s30] =	stream.linear.scatter [tilespmem:s12], [sflag:$0x2], $0x80, $0x38;
	[tilespmem:$0x1D700] =	vst v63  }
0x196: {  	s31 =	sadd.s32 $0x400, s0  }
0x197: {  	[hbm4b:s31+s30] =	stream.linear.scatter [tilespmem:s13], [sflag:$0x2], $0x80, $0x38;
	[tilespmem:$0x1D700] =	vst v63  }
0x198: {  	s31 =	sadd.s32 $0x480, s0  }
0x199: {  	[hbm4b:s31+s30] =	stream.linear.scatter [tilespmem:s14], [sflag:$0x2], $0x80, $0x38;
	[tilespmem:$0x1D700] =	vst v63  }
0x19a: {  	s31 =	sadd.s32 $0x500, s0  }
0x19b: {  	[hbm4b:s31+s30] =	stream.linear.scatter [tilespmem:s19], [sflag:$0x2], $0x80, $0x38;
	[tilespmem:$0x1D700] =	vst v63  }
0x19c: {  	s31 =	sadd.s32 $0x580, s0  }
0x19d: {  	[hbm4b:s31+s30] =	stream.linear.scatter [tilespmem:s20], [sflag:$0x2], $0x80, $0x38;
	[tilespmem:$0x1D700] =	vst v63  }
0x19e: {  	s31 =	sadd.s32 $0x600, s0  }
0x19f: {  	[hbm4b:s31+s30] =	stream.linear.scatter [tilespmem:s5], [sflag:$0x2], $0x80, $0x38;
	[tilespmem:$0x1D700] =	vst v63  }
0x1a0: {  	s31 =	sadd.s32 $0x680, s0  }
0x1a1: {  	[hbm4b:s31+s30] =	stream.linear.scatter [tilespmem:s21], [sflag:$0x2], $0x80, $0x38;
	[tilespmem:$0x1D700] =	vst v63  }
0x1a2: {  	s31 =	sadd.s32 $0x700, s0  }
0x1a3: {  	[hbm4b:s31+s30] =	stream.linear.scatter [tilespmem:s22], [sflag:$0x2], $0x80, $0x38;
	[tilespmem:$0x1D700] =	vst v63  }
0x1a4: {  	s0 =	sadd.s32 $0x780, s0  }
0x1a5: {  	[hbm4b:s0+s30] =	stream.linear.scatter [tilespmem:s23], [sflag:$0x2], $0x80, $0x38;
	[tilespmem:$0x1D700] =	vst v63  }
0x1a6: {  	_ =	swait.ge [sflag:s24], $0x800  }
0x1a7: {  	[sflag:s24] =	ssyncset.done $0x0  }
0x1a8: {  	s31 =	simm.s32 $0x3070;
	[sflag:s24] =	ssyncadd.s32 $0xFFFFF800  }
.LBB2_15:
0x1a9: {  	v0 =	vld [tilespmem:s31+$0xFFFFFF90];
	_ =	sdelay $0x7  }
0x1aa: {  	v0 =	vld.idx.msk [tilespmem:v0+s18+$0x0], $0xffff;
	_ =	sdelay $0x3  }
0x1ab: {  	s0 =	sshra.s32 s30, $0x2  }
0x1ac: {  	[tilespmem:s0+$0x1C700] =	vst v0  }
0x1ad: {  	v0 =	vld [tilespmem:s31+$0xFFFFFFA0];
	_ =	sdelay $0x7  }
0x1ae: {  	v0 =	vld.idx.msk [tilespmem:v0+s18+$0x0], $0xffff;
	_ =	sdelay $0x4  }
0x1af: {  	[tilespmem:s0+$0x1C710] =	vst v0  }
0x1b0: {  	v0 =	vld [tilespmem:s31+$0xFFFFFFB0];
	_ =	sdelay $0x7  }
0x1b1: {  	v0 =	vld.idx.msk [tilespmem:v0+s18+$0x0], $0xffff;
	_ =	sdelay $0x4  }
0x1b2: {  	[tilespmem:s0+$0x1C720] =	vst v0  }
0x1b3: {  	v0 =	vld [tilespmem:s31+$0xFFFFFFC0];
	_ =	sdelay $0x7  }
0x1b4: {  	v0 =	vld.idx.msk [tilespmem:v0+s18+$0x0], $0xffff;
	_ =	sdelay $0x4  }
0x1b5: {  	[tilespmem:s0+$0x1C730] =	vst v0  }
0x1b6: {  	v0 =	vld [tilespmem:s31+$0xFFFFFFD0];
	_ =	sdelay $0x7  }
0x1b7: {  	v0 =	vld.idx.msk [tilespmem:v0+s18+$0x0], $0xffff;
	_ =	sdelay $0x4  }
0x1b8: {  	[tilespmem:s0+$0x1C740] =	vst v0  }
0x1b9: {  	v0 =	vld [tilespmem:s31+$0xFFFFFFE0];
	_ =	sdelay $0x7  }
0x1ba: {  	v0 =	vld.idx.msk [tilespmem:v0+s18+$0x0], $0xffff;
	_ =	sdelay $0x4  }
0x1bb: {  	[tilespmem:s0+$0x1C750] =	vst v0  }
0x1bc: {  	v0 =	vld [tilespmem:s31+$0xFFFFFFF0];
	_ =	sdelay $0x7  }
0x1bd: {  	v0 =	vld.idx.msk [tilespmem:v0+s18+$0x0], $0xffff;
	_ =	sdelay $0x4  }
0x1be: {  	[tilespmem:s0+$0x1C760] =	vst v0  }
0x1bf: {  	v0 =	vld [tilespmem:s31+$0x0];
	_ =	sdelay $0x7  }
0x1c0: {  	p0 =	sne.s32 s30, $0x3C00;
	v0 =	vld.idx.msk [tilespmem:v0+s18+$0x0], $0xffff  }
.Ltmp6:
0x1c1: {  	_ = 	snop;
	(pc) =	sbr.rel @p0 .LBB2_15-.Ltmp6, $2  }
0x1c2: {  	_ =	sdelay $0x2  }
0x1c3: {  	s30 =	sadd.s32 $0x400, s30;
	s31 =	sadd.s32 $0x80, s31;
	[tilespmem:s0+$0x1C770] =	vst v0  }
0x1c4: {  	s0 =	rddreg [dreg:$0xd]  }
0x1c5: {  	s30 =	simm.s32 $0x1C700;
	s0 =	sadd.s32 s29, s0;
	s29 =	simm.s32 $0x0  }
0x1c6: {  	[hbm4b:s0+s29] =	stream.linear.scatter [tilespmem:s30], [sflag:$0x1], $0x80, $0x38;
	[tilespmem:$0x1D700] =	vst v63  }
0x1c7: {  	s15 =	simm.s32 $0x1C800;
	s30 =	sadd.s32 $0x80, s0  }
0x1c8: {  	[hbm4b:s30+s29] =	stream.linear.scatter [tilespmem:s15], [sflag:$0x1], $0x80, $0x38;
	[tilespmem:$0x1D700] =	vst v63  }
0x1c9: {  	s31 =	simm.s32 $0x1C900;
	s30 =	sadd.s32 $0x100, s0  }
0x1ca: {  	[hbm4b:s30+s29] =	stream.linear.scatter [tilespmem:s31], [sflag:$0x1], $0x80, $0x38;
	[tilespmem:$0x1D700] =	vst v63  }
0x1cb: {  	s30 =	sadd.s32 $0x180, s0;
	s31 =	simm.s32 $0x1CA00  }
0x1cc: {  	[hbm4b:s30+s29] =	stream.linear.scatter [tilespmem:s31], [sflag:$0x1], $0x80, $0x38;
	[tilespmem:$0x1D700] =	vst v63  }
0x1cd: {  	s30 =	sadd.s32 $0x200, s0;
	s31 =	simm.s32 $0x1CB00  }
0x1ce: {  	[hbm4b:s30+s29] =	stream.linear.scatter [tilespmem:s31], [sflag:$0x1], $0x80, $0x38;
	[tilespmem:$0x1D700] =	vst v63  }
0x1cf: {  	s30 =	sadd.s32 $0x280, s0;
	s31 =	simm.s32 $0x1CC00  }
0x1d0: {  	[hbm4b:s30+s29] =	stream.linear.scatter [tilespmem:s31], [sflag:$0x1], $0x80, $0x38;
	[tilespmem:$0x1D700] =	vst v63  }
0x1d1: {  	s30 =	sadd.s32 $0x300, s0;
	s31 =	simm.s32 $0x1CD00  }
0x1d2: {  	[hbm4b:s30+s29] =	stream.linear.scatter [tilespmem:s31], [sflag:$0x1], $0x80, $0x38;
	[tilespmem:$0x1D700] =	vst v63  }
0x1d3: {  	s30 =	sadd.s32 $0x380, s0;
	s31 =	simm.s32 $0x1CE00  }
0x1d4: {  	[hbm4b:s30+s29] =	stream.linear.scatter [tilespmem:s31], [sflag:$0x1], $0x80, $0x38;
	[tilespmem:$0x1D700] =	vst v63  }
0x1d5: {  	s30 =	sadd.s32 $0x400, s0;
	s31 =	simm.s32 $0x1CF00  }
0x1d6: {  	[hbm4b:s30+s29] =	stream.linear.scatter [tilespmem:s31], [sflag:$0x1], $0x80, $0x38;
	[tilespmem:$0x1D700] =	vst v63  }
0x1d7: {  	s30 =	sadd.s32 $0x480, s0;
	s31 =	simm.s32 $0x1D000  }
0x1d8: {  	[hbm4b:s30+s29] =	stream.linear.scatter [tilespmem:s31], [sflag:$0x1], $0x80, $0x38;
	[tilespmem:$0x1D700] =	vst v63  }
0x1d9: {  	s30 =	sadd.s32 $0x500, s0;
	s31 =	simm.s32 $0x1D100  }
0x1da: {  	[hbm4b:s30+s29] =	stream.linear.scatter [tilespmem:s31], [sflag:$0x1], $0x80, $0x38;
	[tilespmem:$0x1D700] =	vst v63  }
0x1db: {  	s30 =	sadd.s32 $0x580, s0;
	s31 =	simm.s32 $0x1D200  }
0x1dc: {  	[hbm4b:s30+s29] =	stream.linear.scatter [tilespmem:s31], [sflag:$0x1], $0x80, $0x38;
	[tilespmem:$0x1D700] =	vst v63  }
0x1dd: {  	s30 =	sadd.s32 $0x600, s0;
	s31 =	simm.s32 $0x1D300  }
0x1de: {  	[hbm4b:s30+s29] =	stream.linear.scatter [tilespmem:s31], [sflag:$0x1], $0x80, $0x38;
	[tilespmem:$0x1D700] =	vst v63  }
0x1df: {  	s30 =	sadd.s32 $0x680, s0  }
0x1e0: {  	[hbm4b:s30+s29] =	stream.linear.scatter [tilespmem:s2], [sflag:$0x1], $0x80, $0x38;
	[tilespmem:$0x1D700] =	vst v63  }
0x1e1: {  	s30 =	sadd.s32 $0x700, s0  }
0x1e2: {  	[hbm4b:s30+s29] =	stream.linear.scatter [tilespmem:s16], [sflag:$0x1], $0x80, $0x38;
	[tilespmem:$0x1D700] =	vst v63  }
0x1e3: {  	s0 =	sadd.s32 $0x780, s0  }
0x1e4: {  	[hbm4b:s0+s29] =	stream.linear.scatter [tilespmem:s17], [sflag:$0x1], $0x80, $0x38;
	[tilespmem:$0x1D700] =	vst v63  }
0x1e5: {  	_ =	swait.ge [sflag:s25], $0x800  }
0x1e6: {  	[sflag:s25] =	ssyncset.done $0x0  }
0x1e7: {  	s30 =	simm.s32 $0x1C7F0;
	[sflag:s25] =	ssyncadd.s32 $0xFFFFF800  }
.LBB2_17:
0x1e8: {  	s0 =	sshra.s32 s29, $0x2  }
0x1e9: {  	v0 =	vld [tilespmem:s0+$0x3800];
	_ =	sdelay $0x7  }
0x1ea: {  	v0 =	vld.idx.msk [tilespmem:v0+s18+$0x0], $0xffff;
	_ =	sdelay $0x4  }
0x1eb: {  	[tilespmem:s30+$0xFFFFFF90] =	vst v0  }
0x1ec: {  	v0 =	vld [tilespmem:s0+$0x3810];
	_ =	sdelay $0x7  }
0x1ed: {  	v0 =	vld.idx.msk [tilespmem:v0+s18+$0x0], $0xffff;
	_ =	sdelay $0x4  }
0x1ee: {  	[tilespmem:s30+$0xFFFFFFA0] =	vst v0  }
0x1ef: {  	v0 =	vld [tilespmem:s0+$0x3820];
	_ =	sdelay $0x7  }
0x1f0: {  	v0 =	vld.idx.msk [tilespmem:v0+s18+$0x0], $0xffff;
	_ =	sdelay $0x4  }
0x1f1: {  	[tilespmem:s30+$0xFFFFFFB0] =	vst v0  }
0x1f2: {  	v0 =	vld [tilespmem:s0+$0x3830];
	_ =	sdelay $0x7  }
0x1f3: {  	v0 =	vld.idx.msk [tilespmem:v0+s18+$0x0], $0xffff;
	_ =	sdelay $0x4  }
0x1f4: {  	[tilespmem:s30+$0xFFFFFFC0] =	vst v0  }
0x1f5: {  	v0 =	vld [tilespmem:s0+$0x3840];
	_ =	sdelay $0x7  }
0x1f6: {  	v0 =	vld.idx.msk [tilespmem:v0+s18+$0x0], $0xffff;
	_ =	sdelay $0x4  }
0x1f7: {  	[tilespmem:s30+$0xFFFFFFD0] =	vst v0  }
0x1f8: {  	v0 =	vld [tilespmem:s0+$0x3850];
	_ =	sdelay $0x7  }
0x1f9: {  	v0 =	vld.idx.msk [tilespmem:v0+s18+$0x0], $0xffff;
	_ =	sdelay $0x4  }
0x1fa: {  	[tilespmem:s30+$0xFFFFFFE0] =	vst v0  }
0x1fb: {  	v0 =	vld [tilespmem:s0+$0x3860];
	_ =	sdelay $0x7  }
0x1fc: {  	v0 =	vld.idx.msk [tilespmem:v0+s18+$0x0], $0xffff;
	_ =	sdelay $0x4  }
0x1fd: {  	[tilespmem:s30+$0xFFFFFFF0] =	vst v0  }
0x1fe: {  	v0 =	vld [tilespmem:s0+$0x3870];
	_ =	sdelay $0x7  }
0x1ff: {  	p0 =	sne.s32 s29, $0x1E00;
	v0 =	vld.idx.msk [tilespmem:v0+s18+$0x0], $0xffff  }
.Ltmp7:
0x200: {  	_ = 	snop;
	(pc) =	sbr.rel @p0 .LBB2_17-.Ltmp7, $2  }
0x201: {  	_ =	sdelay $0x2  }
0x202: {  	s29 =	sadd.s32 $0x200, s29;
	[tilespmem:s30+$0x0] =	vst v0;
	s30 =	sadd.s32 $0x100, s30  }
0x203: {  	s0 =	rddreg [dreg:$0x4]  }
0x204: {  	s0 =	sor.u32 s0, s28  }
0x205: {  	s0 =	sshrl.u32 s0, $0x3  }
0x206: {  	s0 =	sor.u32 $0x3800, s0  }
0x207: {  	s0 =	sadd.s32 s1, s0  }
0x208: {  	[hbm4b:s0+s4] =	stream.linear.scatter [tilespmem:s3], [sflag:$0x2], $0x80, $0x38;
	[tilespmem:$0x1D700] =	vst v63  }
0x209: {  	s29 =	sadd.s32 $0x80, s0  }
0x20a: {  	[hbm4b:s29+s4] =	stream.linear.scatter [tilespmem:s6], [sflag:$0x2], $0x80, $0x38;
	[tilespmem:$0x1D700] =	vst v63  }
0x20b: {  	s30 =	sadd.s32 $0x100, s0  }
0x20c: {  	[hbm4b:s30+s4] =	stream.linear.scatter [tilespmem:s7], [sflag:$0x2], $0x80, $0x38;
	[tilespmem:$0x1D700] =	vst v63  }
0x20d: {  	s31 =	smov.u32 s1;
	s1 =	sadd.s32 $0x180, s0  }
0x20e: {  	[hbm4b:s1+s4] =	stream.linear.scatter [tilespmem:s8], [sflag:$0x2], $0x80, $0x38;
	[tilespmem:$0x1D700] =	vst v63  }
0x20f: {  	s15 =	sadd.s32 $0x200, s0  }
0x210: {  	[hbm4b:s15+s4] =	stream.linear.scatter [tilespmem:s9], [sflag:$0x2], $0x80, $0x38;
	[tilespmem:$0x1D700] =	vst v63  }
0x211: {  	s29 =	sadd.s32 $0x280, s0  }
0x212: {  	[hbm4b:s29+s4] =	stream.linear.scatter [tilespmem:s10], [sflag:$0x2], $0x80, $0x38;
	[tilespmem:$0x1D700] =	vst v63  }
0x213: {  	s30 =	sadd.s32 $0x300, s0  }
0x214: {  	[hbm4b:s30+s4] =	stream.linear.scatter [tilespmem:s11], [sflag:$0x2], $0x80, $0x38;
	[tilespmem:$0x1D700] =	vst v63  }
0x215: {  	s1 =	sadd.s32 $0x380, s0  }
0x216: {  	[hbm4b:s1+s4] =	stream.linear.scatter [tilespmem:s12], [sflag:$0x2], $0x80, $0x38;
	[tilespmem:$0x1D700] =	vst v63  }
0x217: {  	s15 =	sadd.s32 $0x400, s0  }
0x218: {  	[hbm4b:s15+s4] =	stream.linear.scatter [tilespmem:s13], [sflag:$0x2], $0x80, $0x38;
	[tilespmem:$0x1D700] =	vst v63  }
0x219: {  	s29 =	sadd.s32 $0x480, s0  }
0x21a: {  	[hbm4b:s29+s4] =	stream.linear.scatter [tilespmem:s14], [sflag:$0x2], $0x80, $0x38;
	[tilespmem:$0x1D700] =	vst v63  }
0x21b: {  	s30 =	sadd.s32 $0x500, s0  }
0x21c: {  	[hbm4b:s30+s4] =	stream.linear.scatter [tilespmem:s19], [sflag:$0x2], $0x80, $0x38;
	[tilespmem:$0x1D700] =	vst v63  }
0x21d: {  	s1 =	sadd.s32 $0x580, s0  }
0x21e: {  	[hbm4b:s1+s4] =	stream.linear.scatter [tilespmem:s20], [sflag:$0x2], $0x80, $0x38;
	[tilespmem:$0x1D700] =	vst v63  }
0x21f: {  	s26 =	sadd.s32 $0x1, s26;
	s15 =	sadd.s32 $0x600, s0  }
0x220: {  	[hbm4b:s15+s4] =	stream.linear.scatter [tilespmem:s5], [sflag:$0x2], $0x80, $0x38;
	[tilespmem:$0x1D700] =	vst v63  }
0x221: {  	p0 =	sne.s32 s26, $0x1A;
	s29 =	sadd.s32 $0x680, s0  }
0x222: {  	[hbm4b:s29+s4] =	stream.linear.scatter [tilespmem:s21], [sflag:$0x2], $0x80, $0x38;
	[tilespmem:$0x1D700] =	vst v63  }
.Ltmp8:
0x223: {  	_ = 	snop;
	(pc) =	sbr.rel @p0 .LBB2_2-.Ltmp8, $4  }
0x224: {  	s30 =	sadd.s32 $0x700, s0  }
0x225: {  	[hbm4b:s30+s4] =	stream.linear.scatter [tilespmem:s22], [sflag:$0x2], $0x80, $0x38;
	[tilespmem:$0x1D700] =	vst v63  }
0x226: {  	s0 =	sadd.s32 $0x780, s0  }
0x227: {  	[hbm4b:s0+s4] =	stream.linear.scatter [tilespmem:s23], [sflag:$0x2], $0x80, $0x38;
	[tilespmem:$0x1D700] =	vst v63  }
0x228: {  	_ =	swait.ge [sflag:s24], $0x800  }
0x229: {  	[sflag:s24] =	ssyncset.done $0x0  }
0x22a: {  	[sflag:s24] =	ssyncadd.s32 $0xFFFFF800  }
0x22b: {  	_ =	swait.ge [sflag:s25], $0x800  }
0x22c: {  	s1 =	rddreg [dreg:$0xf]  }
0x22d: {  	s0 =	rddreg [dreg:$0xe];
	s1 =	sadd.s32 $0x1, s1  }
0x22e: {  	p0 =	sne.s32 s1, s0  }
.Ltmp9:
0x22f: {  	_ = 	snop;
	(pc) =	sbr.rel @p0 .LBB2_1-.Ltmp9, $3  }
0x230: {  	_ =	sdelay $0x1  }
0x231: {  	[sflag:s25] =	ssyncset.done $0x0  }
0x232: {  	[sflag:s25] =	ssyncadd.s32 $0xFFFFF800  }
0x233: {  	_ =	sfence.sel $0x180000  }
0x234: {  	[bflag:$0x0] =	sbarrier.arrive $0xFFFF  }
0x235: {  	_ =	strace $0x90000047  }
0x236: {  	s0 =	stileid.u32;
	[bflag:$0x2] =	sbarrier.arrive $0xFFFF  }
0x237: {  	p0 =	sne.s32 s0, $0x0;
	s0 =	rddreg [dreg:$0x3]  }
0x238: {  	s0 =	sadd.s32 @!p0 $0x100000, s0  }
0x239: {  	[sflag:s0] =	ssyncadd.tile.s32 @!p0 $0x1;
	_ =	shalt  }
.Lfunc_end2:
_tile_overlayer_lowered:
.L_overlay_start_2:
0x23a: {  	(tag) =	ssettag $0x2  }
0x23b: {  	s0 =	rddreg [dreg:$0x0];
	s2 =	stileid.u32  }
0x23c: {  	s1 =	rddreg [dreg:$0x1];
	p0 =	sne.s32 s2, $0x0  }
0x23d: {  	s3 =	rddreg [dreg:$0x2];
	[bflag:$0x3] =	sbarrier.arrive $0xFFFF;
	s2 =	simm.s32 @!p0 $0x1C04  }
0x23e: {  	[timem:s3], [sflag:s2] =	dma.local @!p0 [hbm:s0], s1  }
0x23f: {  	s0 =	simm.s32 @!p0 $0x4  }
0x240: {  	_ =	swait.ge @!p0 [sflag:s0], s1  }
0x241: {  	s1 =	ssub.s32 @!p0 $0x0, s1;
	[sflag:s0] =	ssyncset.done @!p0 $0x0  }
0x242: {  	[sflag:s0] =	ssyncadd.s32 @!p0 s1  }
0x243: {  	[bflag:$0x3] =	sbarrier.arrive $0xFFFF  }
0x244: {  	_ =	shalt  }

</sc_bundles>
